<compile_context>
chip_gen: v7x
topology: tpu7x:2x2x1
jax: 0.10.2.dev20260603
libtpu: 0.0.44.dev20260713+nightly
codegen_flags: <defaults>
</compile_context>

<pallas_src>
import functools

import jax
import jax.numpy as jnp
from jax import lax
from jax.experimental import pallas as pl
from jax.experimental.pallas import tpu as pltpu
from jax.experimental.pallas import tpu_sc as plsc

N = 10000
E = 160000
D_IN = 256
F = 64
SW = 16
PW = SW + F

NPAD = 10240
ROWBLK = 512
NROWBLK = NPAD // ROWBLK

NW = 32
EBLK = 128
NBLK = 40
EPAD = NW * NBLK * EBLK
TSLICE = NPAD // 16


def _prep1_body(x_ref, w1_ref, as_ref, ad_ref, ph_ref, q_ref, init_ref):
    h = jnp.dot(x_ref[...], w1_ref[...], preferred_element_type=jnp.float32)
    p = jnp.dot(h, as_ref[...], preferred_element_type=jnp.float32)
    q = jnp.dot(h, ad_ref[...], preferred_element_type=jnp.float32)
    a = p + q
    winit = jnp.exp(jnp.where(a >= 0, a, 0.2 * a))
    winit64 = jnp.concatenate([winit, winit, winit, winit], axis=1)
    ph_ref[...] = jnp.concatenate([p, h], axis=1)
    q_ref[...] = q
    init_ref[...] = jnp.concatenate([winit64 * h, winit], axis=1)


def _prep1(xp, W1, As16, Ad16):
    return pl.pallas_call(
        _prep1_body,
        grid=(NROWBLK,),
        in_specs=[
            pl.BlockSpec((ROWBLK, D_IN), lambda i: (i, 0)),
            pl.BlockSpec((D_IN, F), lambda i: (0, 0)),
            pl.BlockSpec((F, SW), lambda i: (0, 0)),
            pl.BlockSpec((F, SW), lambda i: (0, 0)),
        ],
        out_specs=[
            pl.BlockSpec((ROWBLK, PW), lambda i: (i, 0)),
            pl.BlockSpec((ROWBLK, SW), lambda i: (i, 0)),
            pl.BlockSpec((ROWBLK, PW), lambda i: (i, 0)),
        ],
        out_shape=[
            jax.ShapeDtypeStruct((NPAD, PW), jnp.float32),
            jax.ShapeDtypeStruct((NPAD, SW), jnp.float32),
            jax.ShapeDtypeStruct((NPAD, PW), jnp.float32),
        ],
    )(xp, W1, As16, Ad16)


def _mid_body(r_ref, init_ref, b1_ref, w2_ref, as_ref, ad_ref,
              ph_ref, q_ref, init2_ref):
    acc = r_ref[0, :, :F] + r_ref[1, :, :F] + init_ref[:, :F]
    s16 = r_ref[0, :, F:] + r_ref[1, :, F:] + init_ref[:, F:]
    s = jnp.concatenate([s16, s16, s16, s16], axis=1)
    o = acc / s + b1_ref[...]
    h2 = jnp.where(o > 0, o, jnp.exp(jnp.minimum(o, 0.0)) - 1.0)
    g = jnp.dot(h2, w2_ref[...], preferred_element_type=jnp.float32)
    p = jnp.dot(g, as_ref[...], preferred_element_type=jnp.float32)
    q = jnp.dot(g, ad_ref[...], preferred_element_type=jnp.float32)
    a = p + q
    winit = jnp.exp(jnp.where(a >= 0, a, 0.2 * a))
    winit64 = jnp.concatenate([winit, winit, winit, winit], axis=1)
    ph_ref[...] = jnp.concatenate([p, g], axis=1)
    q_ref[...] = q
    init2_ref[...] = jnp.concatenate([winit64 * g, winit], axis=1)


def _mid(r, init1, b1, W2, As2, Ad2):
    return pl.pallas_call(
        _mid_body,
        grid=(NROWBLK,),
        in_specs=[
            pl.BlockSpec((2, ROWBLK, PW), lambda i: (0, i, 0)),
            pl.BlockSpec((ROWBLK, PW), lambda i: (i, 0)),
            pl.BlockSpec((1, F), lambda i: (0, 0)),
            pl.BlockSpec((F, F), lambda i: (0, 0)),
            pl.BlockSpec((F, SW), lambda i: (0, 0)),
            pl.BlockSpec((F, SW), lambda i: (0, 0)),
        ],
        out_specs=[
            pl.BlockSpec((ROWBLK, PW), lambda i: (i, 0)),
            pl.BlockSpec((ROWBLK, SW), lambda i: (i, 0)),
            pl.BlockSpec((ROWBLK, PW), lambda i: (i, 0)),
        ],
        out_shape=[
            jax.ShapeDtypeStruct((NPAD, PW), jnp.float32),
            jax.ShapeDtypeStruct((NPAD, SW), jnp.float32),
            jax.ShapeDtypeStruct((NPAD, PW), jnp.float32),
        ],
    )(r, init1, b1, W2, As2, Ad2)


def _final_body(r_ref, init_ref, b2_ref, out_ref):
    acc = r_ref[0, :, :F] + r_ref[1, :, :F] + init_ref[:, :F]
    s16 = r_ref[0, :, F:] + r_ref[1, :, F:] + init_ref[:, F:]
    s = jnp.concatenate([s16, s16, s16, s16], axis=1)
    o = acc / s + b2_ref[...]
    m = jnp.max(o, axis=1, keepdims=True)
    z = o - m
    lse = jnp.log(jnp.sum(jnp.exp(z), axis=1, keepdims=True))
    out_ref[...] = z - lse


def _final(r, init2, b2):
    return pl.pallas_call(
        _final_body,
        grid=(NROWBLK,),
        in_specs=[
            pl.BlockSpec((2, ROWBLK, PW), lambda i: (0, i, 0)),
            pl.BlockSpec((ROWBLK, PW), lambda i: (i, 0)),
            pl.BlockSpec((1, F), lambda i: (0, 0)),
        ],
        out_specs=pl.BlockSpec((ROWBLK, F), lambda i: (i, 0)),
        out_shape=jax.ShapeDtypeStruct((NPAD, F), jnp.float32),
    )(r, init2, b2)


def _edge_body(ph_hbm, q_hbm, src_hbm, dst_hbm, zero_hbm, o_hbm,
               srcv, dstv, phb0, phb1, qb0, qb1, mb0, mb1,
               racc, gsem0, gsem1, ssem0, ssem1):
    c = lax.axis_index("c")
    t = lax.axis_index("s")
    wid = c * 16 + t
    phb = (phb0, phb1)
    qb = (qb0, qb1)
    mb = (mb0, mb1)
    gsem = (gsem0, gsem1)
    ssem = (ssem0, ssem1)

    pltpu.sync_copy(src_hbm.at[wid], srcv)
    pltpu.sync_copy(dst_hbm.at[wid], dstv)
    pltpu.sync_copy(zero_hbm, racc.at[pl.ds(t * TSLICE, TSLICE)])

    def gather_start(j, par):
        pltpu.async_copy(ph_hbm.at[srcv.at[j]], phb[par], gsem[par])
        pltpu.async_copy(q_hbm.at[dstv.at[j]], qb[par], gsem[par])

    def gather_wait(j, par):
        pltpu.make_async_copy(ph_hbm.at[srcv.at[j]], phb[par], gsem[par]).wait()
        pltpu.make_async_copy(q_hbm.at[dstv.at[j]], qb[par], gsem[par]).wait()

    def scatter_start(j, par):
        pltpu.async_copy(mb[par], racc.at[dstv.at[j]], ssem[par], add=True)

    def scatter_wait(j, par):
        pltpu.make_async_copy(mb[par], racc.at[dstv.at[j]], ssem[par]).wait()

    def compute(par):
        pb = phb[par]
        qq = qb[par]
        ob = mb[par]

        def comp(e, carry2):
            p = pb[e, pl.ds(0, 16)]
            q = qq[e, pl.ds(0, 16)]
            a = p + q
            w = jnp.exp(jnp.where(a >= 0, a, 0.2 * a))
            ob[e, pl.ds(F, 16)] = w
            for j in range(4):
                h = pb[e, pl.ds(SW + j * 16, 16)]
                ob[e, pl.ds(j * 16, 16)] = w * h
            return carry2

        lax.fori_loop(0, EBLK, comp, 0, unroll=2)

    if False:
        gather_start(0, 0)
        gather_start(1, 1)

    def blk(jj, carry):
        for par in range(2):
            j = 2 * jj + par



            if False:
                @pl.when(j + 2 < NBLK)
                def _():
                    gather_start(j + 2, par)

        return carry

    lax.fori_loop(0, NBLK // 2, blk, 0)
    plsc.subcore_barrier()

    pltpu.sync_copy(racc.at[pl.ds(t * TSLICE, TSLICE)],
                    o_hbm.at[c, pl.ds(t * TSLICE, TSLICE)])


@functools.cache
def _make_edge_pass():
    return pl.kernel(
        _edge_body,
        out_type=jax.ShapeDtypeStruct((2, NPAD, PW), jnp.float32),
        mesh=plsc.VectorSubcoreMesh(core_axis_name="c", subcore_axis_name="s"),
        compiler_params=pltpu.CompilerParams(use_tc_tiling_on_sc=False),
        scratch_types=[
            pltpu.VMEM((NBLK, EBLK), jnp.int32),
            pltpu.VMEM((NBLK, EBLK), jnp.int32),
            pltpu.VMEM((EBLK, PW), jnp.float32),
            pltpu.VMEM((EBLK, PW), jnp.float32),
            pltpu.VMEM((EBLK, SW), jnp.float32),
            pltpu.VMEM((EBLK, SW), jnp.float32),
            pltpu.VMEM((EBLK, PW), jnp.float32),
            pltpu.VMEM((EBLK, PW), jnp.float32),
            pltpu.VMEM_SHARED((NPAD, PW), jnp.float32),
            pltpu.SemaphoreType.DMA,
            pltpu.SemaphoreType.DMA,
            pltpu.SemaphoreType.DMA,
            pltpu.SemaphoreType.DMA,
        ],
    )


def _edge_pass(ph, q, src, dst, zero):
    return _make_edge_pass()(ph, q, src, dst, zero)


def _expand_heads(att, heads, ch, width):
    a = att.reshape(heads, ch)
    rows = jnp.arange(heads * ch)
    cols = jnp.arange(width)
    m = (a[rows % heads, rows // heads][:, None]
         * ((rows % heads)[:, None] == (cols % heads)[None, :]).astype(a.dtype))
    return m


def kernel(x, edge_index, W1, att_src1, att_dst1, b1, W2, att_src2,
           att_dst2, b2):
    perm = (jnp.arange(F) % 8) * 8 + jnp.arange(F) // 8
    W1p = W1[:, perm]
    b1p = b1[perm]
    W2p = W2[perm, :]

    xp = jnp.zeros((NPAD, D_IN), jnp.float32).at[:N].set(x)
    As1 = _expand_heads(att_src1, 8, 8, SW)
    Ad1 = _expand_heads(att_dst1, 8, 8, SW)
    As2 = _expand_heads(att_src2, 1, F, SW)
    Ad2 = _expand_heads(att_dst2, 1, F, SW)

    pad_ids = jnp.full((EPAD - E,), N, dtype=jnp.int32)
    src = jnp.concatenate([edge_index[0], pad_ids]).reshape(NW, NBLK, EBLK)
    dst = jnp.concatenate([edge_index[1], pad_ids]).reshape(NW, NBLK, EBLK)
    zero = jnp.zeros((TSLICE, PW), jnp.float32)

    ph1, q1, init1 = _prep1(xp, W1p, As1, Ad1)
    r1 = _edge_pass(ph1, q1, src, dst, zero)
    ph2, q2, init2 = _mid(r1, init1, b1p.reshape(1, F), W2p, As2, Ad2)
    r2 = _edge_pass(ph2, q2, src, dst, zero)
    out = _final(r2, init2, b2.reshape(1, F))
    return out[:N]

# --- scband reference (transcript-rebuilt; emitter-appended) ---
"""Pipeline reference for scband-gat-17360257810577 (READ-ONLY COPY).

The authoritative reference and input builder live on the scoring server;
editing this copy changes nothing except your own understanding.
"""

import jax, jax.numpy as jnp
import numpy as np

N = 10000
E = 160000
D_IN = 256
H1, C1 = 8, 8
OUT = 64


def setup_inputs(seed: int = 0) -> dict:
    key = jax.random.key(seed)
    ks = jax.random.split(key, 12)
    x = jax.random.normal(ks[0], (N, D_IN), dtype=jnp.float32)
    edge_index = jax.random.randint(ks[1], (2, E), 0, N, dtype=jnp.int32)
    W1 = jax.random.normal(ks[2], (D_IN, H1 * C1), dtype=jnp.float32) * (1.0 / np.sqrt(D_IN))
    att_src1 = jax.random.normal(ks[3], (1, H1, C1), dtype=jnp.float32) * 0.1
    att_dst1 = jax.random.normal(ks[4], (1, H1, C1), dtype=jnp.float32) * 0.1
    b1 = jnp.zeros((H1 * C1,), dtype=jnp.float32)
    W2 = jax.random.normal(ks[5], (H1 * C1, OUT), dtype=jnp.float32) * (1.0 / np.sqrt(H1 * C1))
    att_src2 = jax.random.normal(ks[6], (1, 1, OUT), dtype=jnp.float32) * 0.1
    att_dst2 = jax.random.normal(ks[7], (1, 1, OUT), dtype=jnp.float32) * 0.1
    b2 = jnp.zeros((OUT,), dtype=jnp.float32)
    return {"x": x, "edge_index": edge_index, "W1": W1, "att_src1": att_src1, "att_dst1": att_dst1, "b1": b1, "W2": W2, "att_src2": att_src2, "att_dst2": att_dst2, "b2": b2}


def gat_conv(x, edge_index, W, att_src, att_dst, bias, heads, ch, concat):
    n = x.shape[0]
    src = edge_index[0]
    dst = edge_index[1]
    # add self loops (PyG GATConv default add_self_loops=True)
    loop = jnp.arange(n, dtype=src.dtype)
    src = jnp.concatenate([src, loop])
    dst = jnp.concatenate([dst, loop])
    h = (x @ W).reshape(n, heads, ch)
    a_src = jnp.sum(h * att_src, axis=-1)  # [n, heads]
    a_dst = jnp.sum(h * att_dst, axis=-1)  # [n, heads]
    alpha = a_src[src] + a_dst[dst]        # [e, heads]
    alpha = jax.nn.leaky_relu(alpha, 0.2)
    # segment softmax over incoming edges of each dst node
    m = jax.ops.segment_max(alpha, dst, num_segments=n)
    m = jnp.where(jnp.isfinite(m), m, 0.0)
    ea = jnp.exp(alpha - m[dst])
    s = jax.ops.segment_sum(ea, dst, num_segments=n)
    p = ea / (s[dst] + 1e-16)
    msg = h[src] * p[:, :, None]
    out = jax.ops.segment_sum(msg, dst, num_segments=n)
    if concat:
        out = out.reshape(n, heads * ch)
    else:
        out = jnp.mean(out, axis=1)
    return out + bias


def reference(x, edge_index, W1, att_src1, att_dst1, b1, W2, att_src2, att_dst2, b2):
    # eval mode: dropout(p=0.6) is identity
    h = jax.nn.elu(gat_conv(x, edge_index, W1, att_src1, att_dst1, b1, H1, C1, True))
    h = gat_conv(h, edge_index, W2, att_src2, att_dst2, b2, 1, OUT, False)
    return jax.nn.log_softmax(h, axis=1)

if __name__ == "__main__":
    import jax
    _d = setup_inputs()
    print(jax.jit(kernel)(*tuple(_d.values())))

</pallas_src>

<mosaic_0001>
#map = affine_map<(d0, d1) -> (0, 0)>
#map1 = affine_map<(d0, d1) -> (0, 0, 0)>
module attributes {stable_mosaic.version = 14 : i64} {
  func.func @_edge_body(%arg0: i32, %arg1: i32, %arg2: memref<10240x80xf32, #tpu.memory_space<hbm>>, %arg3: memref<10240x16xf32, #tpu.memory_space<hbm>>, %arg4: memref<32x40x128xi32, #tpu.memory_space<hbm>>, %arg5: memref<32x40x128xi32, #tpu.memory_space<hbm>>, %arg6: memref<640x80xf32, #tpu.memory_space<hbm>>, %arg7: memref<2x10240x80xf32, #tpu.memory_space<hbm>>, %arg8: memref<40x128xi32, #tpu.memory_space<vmem>>, %arg9: memref<40x128xi32, #tpu.memory_space<vmem>>, %arg10: memref<128x80xf32, #tpu.memory_space<vmem>>, %arg11: memref<128x80xf32, #tpu.memory_space<vmem>>, %arg12: memref<128x16xf32, #tpu.memory_space<vmem>>, %arg13: memref<128x16xf32, #tpu.memory_space<vmem>>, %arg14: memref<128x80xf32, #tpu.memory_space<vmem>>, %arg15: memref<128x80xf32, #tpu.memory_space<vmem>>, %arg16: memref<10240x80xf32, #tpu.memory_space<vmem_shared>>, %arg17: memref<!tpu.dma_semaphore, #tpu.memory_space<semaphore_mem>>, %arg18: memref<!tpu.dma_semaphore, #tpu.memory_space<semaphore_mem>>, %arg19: memref<!tpu.dma_semaphore, #tpu.memory_space<semaphore_mem>>, %arg20: memref<!tpu.dma_semaphore, #tpu.memory_space<semaphore_mem>>) attributes {dimension_semantics = [#tpu.dimension_semantics<core_parallel>, #tpu.dimension_semantics<subcore_parallel>], iteration_bounds = array<i64: 2, 16>, scalar_prefetch = 0 : i64, scratch_operands = 13 : i64, tpu.core_type = #tpu.core_type<sc_vector_subcore>, window_params = [{transform_indices = #map}, {transform_indices = #map}, {transform_indices = #map1}, {transform_indices = #map1}, {transform_indices = #map}, {transform_indices = #map1}]} {
    %mul3A = arith.constant 16 : i32
    %mul3A_0 = arith.muli %arg0, %mul3A : i32
    %add3A = arith.addi %mul3A_0, %arg1 : i32
    "tpu.region"() ({
      %run_scoped3A = tpu.sem_alloc : memref<!tpu.dma_semaphore, #tpu.memory_space<semaphore_mem>>
      %dma_start3A = arith.constant 0 : i32
      %dma_start3A_12 = arith.constant 0 : i32
      %dma_start3A_13 = tpu.memref_slice %arg4[%add3A, %dma_start3A, %dma_start3A_12] : memref<32x40x128xi32, #tpu.memory_space<hbm>> -> memref<1x40x128xi32, #tpu.memory_space<hbm>>
      %dma_start3A_14 = tpu.memref_squeeze %dma_start3A_13 : memref<1x40x128xi32, #tpu.memory_space<hbm>> -> memref<40x128xi32, #tpu.memory_space<hbm>>
      %dma_start3A_15 = arith.constant 0 : i32
      %dma_start3A_16 = arith.constant 0 : i32
      %dma_start3A_17 = tpu.memref_slice %arg4[%add3A, %dma_start3A_15, %dma_start3A_16] : memref<32x40x128xi32, #tpu.memory_space<hbm>> -> memref<1x40x128xi32, #tpu.memory_space<hbm>>
      %dma_start3A_18 = tpu.memref_squeeze %dma_start3A_17 : memref<1x40x128xi32, #tpu.memory_space<hbm>> -> memref<40x128xi32, #tpu.memory_space<hbm>>
      tpu.enqueue_dma source(%dma_start3A_18 : memref<40x128xi32, #tpu.memory_space<hbm>>) target(%arg8 : memref<40x128xi32, #tpu.memory_space<vmem>>) target_semaphore(%run_scoped3A : memref<!tpu.dma_semaphore, #tpu.memory_space<semaphore_mem>>)
      %dma_wait3A = arith.constant 0 : i32
      %dma_wait3A_19 = arith.constant 0 : i32
      %dma_wait3A_20 = tpu.memref_slice %arg4[%add3A, %dma_wait3A, %dma_wait3A_19] : memref<32x40x128xi32, #tpu.memory_space<hbm>> -> memref<1x40x128xi32, #tpu.memory_space<hbm>>
      %dma_wait3A_21 = tpu.memref_squeeze %dma_wait3A_20 : memref<1x40x128xi32, #tpu.memory_space<hbm>> -> memref<40x128xi32, #tpu.memory_space<hbm>>
      %dma_wait3A_22 = arith.constant 0 : i32
      %dma_wait3A_23 = arith.constant 0 : i32
      %dma_wait3A_24 = tpu.memref_slice %arg4[%add3A, %dma_wait3A_22, %dma_wait3A_23] : memref<32x40x128xi32, #tpu.memory_space<hbm>> -> memref<1x40x128xi32, #tpu.memory_space<hbm>>
      %dma_wait3A_25 = tpu.memref_squeeze %dma_wait3A_24 : memref<1x40x128xi32, #tpu.memory_space<hbm>> -> memref<40x128xi32, #tpu.memory_space<hbm>>
      tpu.wait_dma2 semaphore(%run_scoped3A : memref<!tpu.dma_semaphore, #tpu.memory_space<semaphore_mem>>) src(%dma_wait3A_25 : memref<40x128xi32, #tpu.memory_space<hbm>>) dst(%arg8 : memref<40x128xi32, #tpu.memory_space<vmem>>)
      tpu.yield
    }) : () -> ()
    "tpu.region"() ({
      %run_scoped3A = tpu.sem_alloc : memref<!tpu.dma_semaphore, #tpu.memory_space<semaphore_mem>>
      %dma_start3A = arith.constant 0 : i32
      %dma_start3A_12 = arith.constant 0 : i32
      %dma_start3A_13 = tpu.memref_slice %arg5[%add3A, %dma_start3A, %dma_start3A_12] : memref<32x40x128xi32, #tpu.memory_space<hbm>> -> memref<1x40x128xi32, #tpu.memory_space<hbm>>
      %dma_start3A_14 = tpu.memref_squeeze %dma_start3A_13 : memref<1x40x128xi32, #tpu.memory_space<hbm>> -> memref<40x128xi32, #tpu.memory_space<hbm>>
      %dma_start3A_15 = arith.constant 0 : i32
      %dma_start3A_16 = arith.constant 0 : i32
      %dma_start3A_17 = tpu.memref_slice %arg5[%add3A, %dma_start3A_15, %dma_start3A_16] : memref<32x40x128xi32, #tpu.memory_space<hbm>> -> memref<1x40x128xi32, #tpu.memory_space<hbm>>
      %dma_start3A_18 = tpu.memref_squeeze %dma_start3A_17 : memref<1x40x128xi32, #tpu.memory_space<hbm>> -> memref<40x128xi32, #tpu.memory_space<hbm>>
      tpu.enqueue_dma source(%dma_start3A_18 : memref<40x128xi32, #tpu.memory_space<hbm>>) target(%arg9 : memref<40x128xi32, #tpu.memory_space<vmem>>) target_semaphore(%run_scoped3A : memref<!tpu.dma_semaphore, #tpu.memory_space<semaphore_mem>>)
      %dma_wait3A = arith.constant 0 : i32
      %dma_wait3A_19 = arith.constant 0 : i32
      %dma_wait3A_20 = tpu.memref_slice %arg5[%add3A, %dma_wait3A, %dma_wait3A_19] : memref<32x40x128xi32, #tpu.memory_space<hbm>> -> memref<1x40x128xi32, #tpu.memory_space<hbm>>
      %dma_wait3A_21 = tpu.memref_squeeze %dma_wait3A_20 : memref<1x40x128xi32, #tpu.memory_space<hbm>> -> memref<40x128xi32, #tpu.memory_space<hbm>>
      %dma_wait3A_22 = arith.constant 0 : i32
      %dma_wait3A_23 = arith.constant 0 : i32
      %dma_wait3A_24 = tpu.memref_slice %arg5[%add3A, %dma_wait3A_22, %dma_wait3A_23] : memref<32x40x128xi32, #tpu.memory_space<hbm>> -> memref<1x40x128xi32, #tpu.memory_space<hbm>>
      %dma_wait3A_25 = tpu.memref_squeeze %dma_wait3A_24 : memref<1x40x128xi32, #tpu.memory_space<hbm>> -> memref<40x128xi32, #tpu.memory_space<hbm>>
      tpu.wait_dma2 semaphore(%run_scoped3A : memref<!tpu.dma_semaphore, #tpu.memory_space<semaphore_mem>>) src(%dma_wait3A_25 : memref<40x128xi32, #tpu.memory_space<hbm>>) dst(%arg9 : memref<40x128xi32, #tpu.memory_space<vmem>>)
      tpu.yield
    }) : () -> ()
    %mul3A_1 = arith.constant 640 : i32
    %mul3A_2 = arith.muli %arg1, %mul3A_1 : i32
    "tpu.region"() ({
      %run_scoped3A = tpu.sem_alloc : memref<!tpu.dma_semaphore, #tpu.memory_space<semaphore_mem>>
      %dma_start3A = arith.constant 0 : i32
      %dma_start3A_12 = tpu.memref_slice %arg16[%mul3A_2, %dma_start3A] : memref<10240x80xf32, #tpu.memory_space<vmem_shared>> -> memref<640x80xf32, #tpu.memory_space<vmem_shared>>
      tpu.enqueue_dma source(%arg6 : memref<640x80xf32, #tpu.memory_space<hbm>>) target(%dma_start3A_12 : memref<640x80xf32, #tpu.memory_space<vmem_shared>>) target_semaphore(%run_scoped3A : memref<!tpu.dma_semaphore, #tpu.memory_space<semaphore_mem>>)
      %dma_wait3A = arith.constant 0 : i32
      %dma_wait3A_13 = tpu.memref_slice %arg16[%mul3A_2, %dma_wait3A] : memref<10240x80xf32, #tpu.memory_space<vmem_shared>> -> memref<640x80xf32, #tpu.memory_space<vmem_shared>>
      tpu.wait_dma2 semaphore(%run_scoped3A : memref<!tpu.dma_semaphore, #tpu.memory_space<semaphore_mem>>) src(%arg6 : memref<640x80xf32, #tpu.memory_space<hbm>>) dst(%dma_wait3A_13 : memref<640x80xf32, #tpu.memory_space<vmem_shared>>)
      tpu.yield
    }) : () -> ()
    %scan3A = arith.constant 0 : i32
    %scan3A_3 = arith.constant 0 : i32
    %scan3A_4 = arith.constant 20 : i32
    %scan3A_5 = arith.addi %scan3A_3, %scan3A_4 : i32
    %scan3A_6 = arith.constant 1 : i32
    scf.for %scan3A_12 = %scan3A_3 to %scan3A_5 step %scan3A_6  : i32 {
      %mul3A_13 = arith.constant 2 : i32
      %mul3A_14 = arith.muli %mul3A_13, %scan3A_12 : i32
      %add3A_15 = arith.constant 0 : i32
      %add3A_16 = arith.addi %mul3A_14, %add3A_15 : i32
      %mul3A_17 = arith.constant 2 : i32
      %mul3A_18 = arith.muli %mul3A_17, %scan3A_12 : i32
      %add3A_19 = arith.constant 1 : i32
      %add3A_20 = arith.addi %mul3A_18, %add3A_19 : i32
    }
    %scan3A_7 = arith.constant 20 : i32
    %barrier3A = arith.constant 0 : index
    tpu.barrier barrier_id(%barrier3A)
    %mul3A_8 = arith.constant 640 : i32
    %mul3A_9 = arith.muli %arg1, %mul3A_8 : i32
    %mul3A_10 = arith.constant 640 : i32
    %mul3A_11 = arith.muli %arg1, %mul3A_10 : i32
    "tpu.region"() ({
      %run_scoped3A = tpu.sem_alloc : memref<!tpu.dma_semaphore, #tpu.memory_space<semaphore_mem>>
      %dma_start3A = arith.constant 0 : i32
      %dma_start3A_12 = tpu.memref_slice %arg7[%arg0, %mul3A_11, %dma_start3A] : memref<2x10240x80xf32, #tpu.memory_space<hbm>> -> memref<1x640x80xf32, #tpu.memory_space<hbm>>
      %dma_start3A_13 = tpu.memref_squeeze %dma_start3A_12 : memref<1x640x80xf32, #tpu.memory_space<hbm>> -> memref<640x80xf32, #tpu.memory_space<hbm>>
      %dma_start3A_14 = arith.constant 0 : i32
      %dma_start3A_15 = tpu.memref_slice %arg16[%mul3A_9, %dma_start3A_14] : memref<10240x80xf32, #tpu.memory_space<vmem_shared>> -> memref<640x80xf32, #tpu.memory_space<vmem_shared>>
      tpu.enqueue_dma source(%dma_start3A_15 : memref<640x80xf32, #tpu.memory_space<vmem_shared>>) target(%dma_start3A_13 : memref<640x80xf32, #tpu.memory_space<hbm>>) target_semaphore(%run_scoped3A : memref<!tpu.dma_semaphore, #tpu.memory_space<semaphore_mem>>)
      %dma_wait3A = arith.constant 0 : i32
      %dma_wait3A_16 = tpu.memref_slice %arg7[%arg0, %mul3A_11, %dma_wait3A] : memref<2x10240x80xf32, #tpu.memory_space<hbm>> -> memref<1x640x80xf32, #tpu.memory_space<hbm>>
      %dma_wait3A_17 = tpu.memref_squeeze %dma_wait3A_16 : memref<1x640x80xf32, #tpu.memory_space<hbm>> -> memref<640x80xf32, #tpu.memory_space<hbm>>
      %dma_wait3A_18 = arith.constant 0 : i32
      %dma_wait3A_19 = tpu.memref_slice %arg16[%mul3A_9, %dma_wait3A_18] : memref<10240x80xf32, #tpu.memory_space<vmem_shared>> -> memref<640x80xf32, #tpu.memory_space<vmem_shared>>
      tpu.wait_dma2 semaphore(%run_scoped3A : memref<!tpu.dma_semaphore, #tpu.memory_space<semaphore_mem>>) src(%dma_wait3A_19 : memref<640x80xf32, #tpu.memory_space<vmem_shared>>) dst(%dma_wait3A_17 : memref<640x80xf32, #tpu.memory_space<hbm>>)
      tpu.yield
    }) : () -> ()
    return
  }
}

#map = affine_map<(d0, d1) -> (0, 0)>
#map1 = affine_map<(d0, d1) -> (0, 0, 0)>
module attributes {stable_mosaic.version = 14 : i64} {
  func.func @_edge_body(%arg0: i32, %arg1: i32, %arg2: memref<10240x80xf32, #tpu.memory_space<hbm>>, %arg3: memref<10240x16xf32, #tpu.memory_space<hbm>>, %arg4: memref<32x40x128xi32, #tpu.memory_space<hbm>>, %arg5: memref<32x40x128xi32, #tpu.memory_space<hbm>>, %arg6: memref<640x80xf32, #tpu.memory_space<hbm>>, %arg7: memref<2x10240x80xf32, #tpu.memory_space<hbm>>, %arg8: memref<40x128xi32, #tpu.memory_space<vmem>>, %arg9: memref<40x128xi32, #tpu.memory_space<vmem>>, %arg10: memref<128x80xf32, #tpu.memory_space<vmem>>, %arg11: memref<128x80xf32, #tpu.memory_space<vmem>>, %arg12: memref<128x16xf32, #tpu.memory_space<vmem>>, %arg13: memref<128x16xf32, #tpu.memory_space<vmem>>, %arg14: memref<128x80xf32, #tpu.memory_space<vmem>>, %arg15: memref<128x80xf32, #tpu.memory_space<vmem>>, %arg16: memref<10240x80xf32, #tpu.memory_space<vmem_shared>>, %arg17: memref<!tpu.dma_semaphore, #tpu.memory_space<semaphore_mem>>, %arg18: memref<!tpu.dma_semaphore, #tpu.memory_space<semaphore_mem>>, %arg19: memref<!tpu.dma_semaphore, #tpu.memory_space<semaphore_mem>>, %arg20: memref<!tpu.dma_semaphore, #tpu.memory_space<semaphore_mem>>) attributes {dimension_semantics = [#tpu.dimension_semantics<core_parallel>, #tpu.dimension_semantics<subcore_parallel>], iteration_bounds = array<i64: 2, 16>, scalar_prefetch = 0 : i64, scratch_operands = 13 : i64, tpu.core_type = #tpu.core_type<sc_vector_subcore>, window_params = [{transform_indices = #map}, {transform_indices = #map}, {transform_indices = #map1}, {transform_indices = #map1}, {transform_indices = #map}, {transform_indices = #map1}]} {
    %mul3A = arith.constant 16 : i32
    %mul3A_0 = arith.muli %arg0, %mul3A : i32
    %add3A = arith.addi %mul3A_0, %arg1 : i32
    "tpu.region"() ({
      %run_scoped3A = tpu.sem_alloc : memref<!tpu.dma_semaphore, #tpu.memory_space<semaphore_mem>>
      %dma_start3A = arith.constant 0 : i32
      %dma_start3A_12 = arith.constant 0 : i32
      %dma_start3A_13 = tpu.memref_slice %arg4[%add3A, %dma_start3A, %dma_start3A_12] : memref<32x40x128xi32, #tpu.memory_space<hbm>> -> memref<1x40x128xi32, #tpu.memory_space<hbm>>
      %dma_start3A_14 = tpu.memref_squeeze %dma_start3A_13 : memref<1x40x128xi32, #tpu.memory_space<hbm>> -> memref<40x128xi32, #tpu.memory_space<hbm>>
      %dma_start3A_15 = arith.constant 0 : i32
      %dma_start3A_16 = arith.constant 0 : i32
      %dma_start3A_17 = tpu.memref_slice %arg4[%add3A, %dma_start3A_15, %dma_start3A_16] : memref<32x40x128xi32, #tpu.memory_space<hbm>> -> memref<1x40x128xi32, #tpu.memory_space<hbm>>
      %dma_start3A_18 = tpu.memref_squeeze %dma_start3A_17 : memref<1x40x128xi32, #tpu.memory_space<hbm>> -> memref<40x128xi32, #tpu.memory_space<hbm>>
      tpu.enqueue_dma source(%dma_start3A_18 : memref<40x128xi32, #tpu.memory_space<hbm>>) target(%arg8 : memref<40x128xi32, #tpu.memory_space<vmem>>) target_semaphore(%run_scoped3A : memref<!tpu.dma_semaphore, #tpu.memory_space<semaphore_mem>>)
      %dma_wait3A = arith.constant 0 : i32
      %dma_wait3A_19 = arith.constant 0 : i32
      %dma_wait3A_20 = tpu.memref_slice %arg4[%add3A, %dma_wait3A, %dma_wait3A_19] : memref<32x40x128xi32, #tpu.memory_space<hbm>> -> memref<1x40x128xi32, #tpu.memory_space<hbm>>
      %dma_wait3A_21 = tpu.memref_squeeze %dma_wait3A_20 : memref<1x40x128xi32, #tpu.memory_space<hbm>> -> memref<40x128xi32, #tpu.memory_space<hbm>>
      %dma_wait3A_22 = arith.constant 0 : i32
      %dma_wait3A_23 = arith.constant 0 : i32
      %dma_wait3A_24 = tpu.memref_slice %arg4[%add3A, %dma_wait3A_22, %dma_wait3A_23] : memref<32x40x128xi32, #tpu.memory_space<hbm>> -> memref<1x40x128xi32, #tpu.memory_space<hbm>>
      %dma_wait3A_25 = tpu.memref_squeeze %dma_wait3A_24 : memref<1x40x128xi32, #tpu.memory_space<hbm>> -> memref<40x128xi32, #tpu.memory_space<hbm>>
      tpu.wait_dma2 semaphore(%run_scoped3A : memref<!tpu.dma_semaphore, #tpu.memory_space<semaphore_mem>>) src(%dma_wait3A_25 : memref<40x128xi32, #tpu.memory_space<hbm>>) dst(%arg8 : memref<40x128xi32, #tpu.memory_space<vmem>>)
      tpu.yield
    }) : () -> ()
    "tpu.region"() ({
      %run_scoped3A = tpu.sem_alloc : memref<!tpu.dma_semaphore, #tpu.memory_space<semaphore_mem>>
      %dma_start3A = arith.constant 0 : i32
      %dma_start3A_12 = arith.constant 0 : i32
      %dma_start3A_13 = tpu.memref_slice %arg5[%add3A, %dma_start3A, %dma_start3A_12] : memref<32x40x128xi32, #tpu.memory_space<hbm>> -> memref<1x40x128xi32, #tpu.memory_space<hbm>>
      %dma_start3A_14 = tpu.memref_squeeze %dma_start3A_13 : memref<1x40x128xi32, #tpu.memory_space<hbm>> -> memref<40x128xi32, #tpu.memory_space<hbm>>
      %dma_start3A_15 = arith.constant 0 : i32
      %dma_start3A_16 = arith.constant 0 : i32
      %dma_start3A_17 = tpu.memref_slice %arg5[%add3A, %dma_start3A_15, %dma_start3A_16] : memref<32x40x128xi32, #tpu.memory_space<hbm>> -> memref<1x40x128xi32, #tpu.memory_space<hbm>>
      %dma_start3A_18 = tpu.memref_squeeze %dma_start3A_17 : memref<1x40x128xi32, #tpu.memory_space<hbm>> -> memref<40x128xi32, #tpu.memory_space<hbm>>
      tpu.enqueue_dma source(%dma_start3A_18 : memref<40x128xi32, #tpu.memory_space<hbm>>) target(%arg9 : memref<40x128xi32, #tpu.memory_space<vmem>>) target_semaphore(%run_scoped3A : memref<!tpu.dma_semaphore, #tpu.memory_space<semaphore_mem>>)
      %dma_wait3A = arith.constant 0 : i32
      %dma_wait3A_19 = arith.constant 0 : i32
      %dma_wait3A_20 = tpu.memref_slice %arg5[%add3A, %dma_wait3A, %dma_wait3A_19] : memref<32x40x128xi32, #tpu.memory_space<hbm>> -> memref<1x40x128xi32, #tpu.memory_space<hbm>>
      %dma_wait3A_21 = tpu.memref_squeeze %dma_wait3A_20 : memref<1x40x128xi32, #tpu.memory_space<hbm>> -> memref<40x128xi32, #tpu.memory_space<hbm>>
      %dma_wait3A_22 = arith.constant 0 : i32
      %dma_wait3A_23 = arith.constant 0 : i32
      %dma_wait3A_24 = tpu.memref_slice %arg5[%add3A, %dma_wait3A_22, %dma_wait3A_23] : memref<32x40x128xi32, #tpu.memory_space<hbm>> -> memref<1x40x128xi32, #tpu.memory_space<hbm>>
      %dma_wait3A_25 = tpu.memref_squeeze %dma_wait3A_24 : memref<1x40x128xi32, #tpu.memory_space<hbm>> -> memref<40x128xi32, #tpu.memory_space<hbm>>
      tpu.wait_dma2 semaphore(%run_scoped3A : memref<!tpu.dma_semaphore, #tpu.memory_space<semaphore_mem>>) src(%dma_wait3A_25 : memref<40x128xi32, #tpu.memory_space<hbm>>) dst(%arg9 : memref<40x128xi32, #tpu.memory_space<vmem>>)
      tpu.yield
    }) : () -> ()
    %mul3A_1 = arith.constant 640 : i32
    %mul3A_2 = arith.muli %arg1, %mul3A_1 : i32
    "tpu.region"() ({
      %run_scoped3A = tpu.sem_alloc : memref<!tpu.dma_semaphore, #tpu.memory_space<semaphore_mem>>
      %dma_start3A = arith.constant 0 : i32
      %dma_start3A_12 = tpu.memref_slice %arg16[%mul3A_2, %dma_start3A] : memref<10240x80xf32, #tpu.memory_space<vmem_shared>> -> memref<640x80xf32, #tpu.memory_space<vmem_shared>>
      tpu.enqueue_dma source(%arg6 : memref<640x80xf32, #tpu.memory_space<hbm>>) target(%dma_start3A_12 : memref<640x80xf32, #tpu.memory_space<vmem_shared>>) target_semaphore(%run_scoped3A : memref<!tpu.dma_semaphore, #tpu.memory_space<semaphore_mem>>)
      %dma_wait3A = arith.constant 0 : i32
      %dma_wait3A_13 = tpu.memref_slice %arg16[%mul3A_2, %dma_wait3A] : memref<10240x80xf32, #tpu.memory_space<vmem_shared>> -> memref<640x80xf32, #tpu.memory_space<vmem_shared>>
      tpu.wait_dma2 semaphore(%run_scoped3A : memref<!tpu.dma_semaphore, #tpu.memory_space<semaphore_mem>>) src(%arg6 : memref<640x80xf32, #tpu.memory_space<hbm>>) dst(%dma_wait3A_13 : memref<640x80xf32, #tpu.memory_space<vmem_shared>>)
      tpu.yield
    }) : () -> ()
    %scan3A = arith.constant 0 : i32
    %scan3A_3 = arith.constant 0 : i32
    %scan3A_4 = arith.constant 20 : i32
    %scan3A_5 = arith.addi %scan3A_3, %scan3A_4 : i32
    %scan3A_6 = arith.constant 1 : i32
    scf.for %scan3A_12 = %scan3A_3 to %scan3A_5 step %scan3A_6  : i32 {
      %mul3A_13 = arith.constant 2 : i32
      %mul3A_14 = arith.muli %mul3A_13, %scan3A_12 : i32
      %add3A_15 = arith.constant 0 : i32
      %add3A_16 = arith.addi %mul3A_14, %add3A_15 : i32
      %mul3A_17 = arith.constant 2 : i32
      %mul3A_18 = arith.muli %mul3A_17, %scan3A_12 : i32
      %add3A_19 = arith.constant 1 : i32
      %add3A_20 = arith.addi %mul3A_18, %add3A_19 : i32
    }
    %scan3A_7 = arith.constant 20 : i32
    %barrier3A = arith.constant 0 : index
    tpu.barrier barrier_id(%barrier3A)
    %mul3A_8 = arith.constant 640 : i32
    %mul3A_9 = arith.muli %arg1, %mul3A_8 : i32
    %mul3A_10 = arith.constant 640 : i32
    %mul3A_11 = arith.muli %arg1, %mul3A_10 : i32
    "tpu.region"() ({
      %run_scoped3A = tpu.sem_alloc : memref<!tpu.dma_semaphore, #tpu.memory_space<semaphore_mem>>
      %dma_start3A = arith.constant 0 : i32
      %dma_start3A_12 = tpu.memref_slice %arg7[%arg0, %mul3A_11, %dma_start3A] : memref<2x10240x80xf32, #tpu.memory_space<hbm>> -> memref<1x640x80xf32, #tpu.memory_space<hbm>>
      %dma_start3A_13 = tpu.memref_squeeze %dma_start3A_12 : memref<1x640x80xf32, #tpu.memory_space<hbm>> -> memref<640x80xf32, #tpu.memory_space<hbm>>
      %dma_start3A_14 = arith.constant 0 : i32
      %dma_start3A_15 = tpu.memref_slice %arg16[%mul3A_9, %dma_start3A_14] : memref<10240x80xf32, #tpu.memory_space<vmem_shared>> -> memref<640x80xf32, #tpu.memory_space<vmem_shared>>
      tpu.enqueue_dma source(%dma_start3A_15 : memref<640x80xf32, #tpu.memory_space<vmem_shared>>) target(%dma_start3A_13 : memref<640x80xf32, #tpu.memory_space<hbm>>) target_semaphore(%run_scoped3A : memref<!tpu.dma_semaphore, #tpu.memory_space<semaphore_mem>>)
      %dma_wait3A = arith.constant 0 : i32
      %dma_wait3A_16 = tpu.memref_slice %arg7[%arg0, %mul3A_11, %dma_wait3A] : memref<2x10240x80xf32, #tpu.memory_space<hbm>> -> memref<1x640x80xf32, #tpu.memory_space<hbm>>
      %dma_wait3A_17 = tpu.memref_squeeze %dma_wait3A_16 : memref<1x640x80xf32, #tpu.memory_space<hbm>> -> memref<640x80xf32, #tpu.memory_space<hbm>>
      %dma_wait3A_18 = arith.constant 0 : i32
      %dma_wait3A_19 = tpu.memref_slice %arg16[%mul3A_9, %dma_wait3A_18] : memref<10240x80xf32, #tpu.memory_space<vmem_shared>> -> memref<640x80xf32, #tpu.memory_space<vmem_shared>>
      tpu.wait_dma2 semaphore(%run_scoped3A : memref<!tpu.dma_semaphore, #tpu.memory_space<semaphore_mem>>) src(%dma_wait3A_19 : memref<640x80xf32, #tpu.memory_space<vmem_shared>>) dst(%dma_wait3A_17 : memref<640x80xf32, #tpu.memory_space<hbm>>)
      tpu.yield
    }) : () -> ()
    return
  }
}

module attributes {stable_mosaic.version = 14 : i64} {
  func.func @_prep1_body(%arg0: i32, %arg1: memref<512x256xf32, #tpu.memory_space<vmem>>, %arg2: memref<256x64xf32, #tpu.memory_space<vmem>>, %arg3: memref<64x16xf32, #tpu.memory_space<vmem>>, %arg4: memref<64x16xf32, #tpu.memory_space<vmem>>, %arg5: memref<512x80xf32, #tpu.memory_space<vmem>>, %arg6: memref<512x16xf32, #tpu.memory_space<vmem>>, %arg7: memref<512x80xf32, #tpu.memory_space<vmem>>) attributes {dimension_semantics = [#tpu.dimension_semantics<arbitrary>], iteration_bounds = array<i64: 20>, scalar_prefetch = 0 : i64, scratch_operands = 0 : i64, tpu.core_type = #tpu.core_type<tc>, window_params = [{transform_indices = @transform_0, window_bounds = array<i64: 512, 256>}, {pipeline_mode = #tpu.pipeline_mode<synchronous>, transform_indices = @transform_1, window_bounds = array<i64: 256, 64>}, {pipeline_mode = #tpu.pipeline_mode<synchronous>, transform_indices = @transform_2, window_bounds = array<i64: 64, 16>}, {pipeline_mode = #tpu.pipeline_mode<synchronous>, transform_indices = @transform_3, window_bounds = array<i64: 64, 16>}, {transform_indices = @transform_4, window_bounds = array<i64: 512, 80>}, {transform_indices = @transform_5, window_bounds = array<i64: 512, 16>}, {transform_indices = @transform_6, window_bounds = array<i64: 512, 80>}]} {
    %get3A = arith.constant 0 : index
    %get3A_0 = arith.constant 0 : index
    %get3A_1 = vector.load %arg1[%get3A, %get3A_0] : memref<512x256xf32, #tpu.memory_space<vmem>>, vector<512x256xf32>
    %get3A_2 = arith.constant 0 : index
    %get3A_3 = arith.constant 0 : index
    %get3A_4 = vector.load %arg2[%get3A_2, %get3A_3] : memref<256x64xf32, #tpu.memory_space<vmem>>, vector<256x64xf32>
    %dot_general3A = arith.constant dense<0.000000e+00> : vector<512x64xf32>
    %dot_general3A_5 = tpu.matmul %get3A_1, %get3A_4, %dot_general3A {dimension_numbers = #tpu.dot_dimension_numbers<[1], [0], [0], [1], [0, 0, 1, 1], [], []>, transpose_lhs_hint = false} : vector<512x256xf32>, vector<256x64xf32>, vector<512x64xf32> -> vector<512x64xf32>
    %get3A_6 = arith.constant 0 : index
    %get3A_7 = arith.constant 0 : index
    %get3A_8 = vector.load %arg3[%get3A_6, %get3A_7] : memref<64x16xf32, #tpu.memory_space<vmem>>, vector<64x16xf32>
    %dot_general3A_9 = arith.constant dense<0.000000e+00> : vector<512x16xf32>
    %dot_general3A_10 = tpu.matmul %dot_general3A_5, %get3A_8, %dot_general3A_9 {dimension_numbers = #tpu.dot_dimension_numbers<[1], [0], [0], [1], [0, 0, 1, 1], [], []>, transpose_lhs_hint = false} : vector<512x64xf32>, vector<64x16xf32>, vector<512x16xf32> -> vector<512x16xf32>
    %get3A_11 = arith.constant 0 : index
    %get3A_12 = arith.constant 0 : index
    %get3A_13 = vector.load %arg4[%get3A_11, %get3A_12] : memref<64x16xf32, #tpu.memory_space<vmem>>, vector<64x16xf32>
    %dot_general3A_14 = arith.constant dense<0.000000e+00> : vector<512x16xf32>
    %dot_general3A_15 = tpu.matmul %dot_general3A_5, %get3A_13, %dot_general3A_14 {dimension_numbers = #tpu.dot_dimension_numbers<[1], [0], [0], [1], [0, 0, 1, 1], [], []>, transpose_lhs_hint = false} : vector<512x64xf32>, vector<64x16xf32>, vector<512x16xf32> -> vector<512x16xf32>
    %add3A = arith.addf %dot_general3A_10, %dot_general3A_15 : vector<512x16xf32>
    %ge3A = arith.constant 0.000000e+00 : f32
    %ge3A_16 = vector.broadcast %ge3A : f32 to vector<512x16xf32>
    %ge3A_17 = arith.cmpf oge, %add3A, %ge3A_16 : vector<512x16xf32>
    %mul3A = arith.constant 2.000000e-01 : f32
    %mul3A_18 = vector.broadcast %mul3A : f32 to vector<512x16xf32>
    %mul3A_19 = arith.mulf %mul3A_18, %add3A : vector<512x16xf32>
    %select_n3A = arith.select %ge3A_17, %add3A, %mul3A_19 : vector<512x16xi1>, vector<512x16xf32>
    %exp3A = math.exp %select_n3A : vector<512x16xf32>
    %concatenate3A = tpu.concatenate %exp3A, %exp3A, %exp3A, %exp3A in 1 : vector<512x16xf32>, vector<512x16xf32>, vector<512x16xf32>, vector<512x16xf32> -> vector<512x64xf32>
    %concatenate3A_20 = tpu.concatenate %dot_general3A_10, %dot_general3A_5 in 1 : vector<512x16xf32>, vector<512x64xf32> -> vector<512x80xf32>
    %swap3A = arith.constant 0 : index
    %swap3A_21 = arith.constant 0 : index
    %swap3A_22 = vector.load %arg5[%swap3A, %swap3A_21] : memref<512x80xf32, #tpu.memory_space<vmem>>, vector<512x80xf32>
    tpu.vector_store %arg5[%swap3A, %swap3A_21], %concatenate3A_20 {strides = array<i32>} : memref<512x80xf32, #tpu.memory_space<vmem>>, vector<512x80xf32>,
    %swap3A_23 = arith.constant 0 : index
    %swap3A_24 = arith.constant 0 : index
    %swap3A_25 = vector.load %arg6[%swap3A_23, %swap3A_24] : memref<512x16xf32, #tpu.memory_space<vmem>>, vector<512x16xf32>
    tpu.vector_store %arg6[%swap3A_23, %swap3A_24], %dot_general3A_15 {strides = array<i32>} : memref<512x16xf32, #tpu.memory_space<vmem>>, vector<512x16xf32>,
    %mul3A_26 = arith.mulf %concatenate3A, %dot_general3A_5 : vector<512x64xf32>
    %concatenate3A_27 = tpu.concatenate %mul3A_26, %exp3A in 1 : vector<512x64xf32>, vector<512x16xf32> -> vector<512x80xf32>
    %swap3A_28 = arith.constant 0 : index
    %swap3A_29 = arith.constant 0 : index
    %swap3A_30 = vector.load %arg7[%swap3A_28, %swap3A_29] : memref<512x80xf32, #tpu.memory_space<vmem>>, vector<512x80xf32>
    tpu.vector_store %arg7[%swap3A_28, %swap3A_29], %concatenate3A_27 {strides = array<i32>} : memref<512x80xf32, #tpu.memory_space<vmem>>, vector<512x80xf32>,
    return
  }
  func.func @transform_0(%arg0: i32) -> (i32, i32) {
    %c0_i32 = arith.constant 0 : i32
    %c0_i32_0 = arith.constant 0 : i32
    return %arg0, %c0_i32 : i32, i32
  }
  func.func @transform_1(%arg0: i32) -> (i32, i32) {
    %c0_i32 = arith.constant 0 : i32
    %c0_i32_0 = arith.constant 0 : i32
    %c0_i32_1 = arith.constant 0 : i32
    return %c0_i32, %c0_i32_0 : i32, i32
  }
  func.func @transform_2(%arg0: i32) -> (i32, i32) {
    %c0_i32 = arith.constant 0 : i32
    %c0_i32_0 = arith.constant 0 : i32
    %c0_i32_1 = arith.constant 0 : i32
    return %c0_i32, %c0_i32_0 : i32, i32
  }
  func.func @transform_3(%arg0: i32) -> (i32, i32) {
    %c0_i32 = arith.constant 0 : i32
    %c0_i32_0 = arith.constant 0 : i32
    %c0_i32_1 = arith.constant 0 : i32
    return %c0_i32, %c0_i32_0 : i32, i32
  }
  func.func @transform_4(%arg0: i32) -> (i32, i32) {
    %c0_i32 = arith.constant 0 : i32
    %c0_i32_0 = arith.constant 0 : i32
    return %arg0, %c0_i32 : i32, i32
  }
  func.func @transform_5(%arg0: i32) -> (i32, i32) {
    %c0_i32 = arith.constant 0 : i32
    %c0_i32_0 = arith.constant 0 : i32
    return %arg0, %c0_i32 : i32, i32
  }
  func.func @transform_6(%arg0: i32) -> (i32, i32) {
    %c0_i32 = arith.constant 0 : i32
    %c0_i32_0 = arith.constant 0 : i32
    return %arg0, %c0_i32 : i32, i32
  }
}

module attributes {stable_mosaic.version = 14 : i64} {
  func.func @_mid_body(%arg0: i32, %arg1: memref<2x512x80xf32, #tpu.memory_space<vmem>>, %arg2: memref<512x80xf32, #tpu.memory_space<vmem>>, %arg3: memref<1x64xf32, #tpu.memory_space<vmem>>, %arg4: memref<64x64xf32, #tpu.memory_space<vmem>>, %arg5: memref<64x16xf32, #tpu.memory_space<vmem>>, %arg6: memref<64x16xf32, #tpu.memory_space<vmem>>, %arg7: memref<512x80xf32, #tpu.memory_space<vmem>>, %arg8: memref<512x16xf32, #tpu.memory_space<vmem>>, %arg9: memref<512x80xf32, #tpu.memory_space<vmem>>) attributes {dimension_semantics = [#tpu.dimension_semantics<arbitrary>], iteration_bounds = array<i64: 20>, scalar_prefetch = 0 : i64, scratch_operands = 0 : i64, tpu.core_type = #tpu.core_type<tc>, window_params = [{transform_indices = @transform_0, window_bounds = array<i64: 2, 512, 80>}, {transform_indices = @transform_1, window_bounds = array<i64: 512, 80>}, {pipeline_mode = #tpu.pipeline_mode<synchronous>, transform_indices = @transform_2, window_bounds = array<i64: 1, 64>}, {pipeline_mode = #tpu.pipeline_mode<synchronous>, transform_indices = @transform_3, window_bounds = array<i64: 64, 64>}, {pipeline_mode = #tpu.pipeline_mode<synchronous>, transform_indices = @transform_4, window_bounds = array<i64: 64, 16>}, {pipeline_mode = #tpu.pipeline_mode<synchronous>, transform_indices = @transform_5, window_bounds = array<i64: 64, 16>}, {transform_indices = @transform_6, window_bounds = array<i64: 512, 80>}, {transform_indices = @transform_7, window_bounds = array<i64: 512, 16>}, {transform_indices = @transform_8, window_bounds = array<i64: 512, 80>}]} {
    %get3A = arith.constant 0 : index
    %get3A_0 = arith.constant 0 : index
    %get3A_1 = arith.constant 0 : index
    %get3A_2 = vector.load %arg1[%get3A, %get3A_0, %get3A_1] : memref<2x512x80xf32, #tpu.memory_space<vmem>>, vector<1x512x64xf32>
    %get3A_3 = vector.shape_cast %get3A_2 : vector<1x512x64xf32> to vector<512x64xf32>
    %get3A_4 = arith.constant 1 : index
    %get3A_5 = arith.constant 0 : index
    %get3A_6 = arith.constant 0 : index
    %get3A_7 = vector.load %arg1[%get3A_4, %get3A_5, %get3A_6] : memref<2x512x80xf32, #tpu.memory_space<vmem>>, vector<1x512x64xf32>
    %get3A_8 = vector.shape_cast %get3A_7 : vector<1x512x64xf32> to vector<512x64xf32>
    %add3A = arith.addf %get3A_3, %get3A_8 : vector<512x64xf32>
    %get3A_9 = arith.constant 0 : index
    %get3A_10 = arith.constant 0 : index
    %get3A_11 = vector.load %arg2[%get3A_9, %get3A_10] : memref<512x80xf32, #tpu.memory_space<vmem>>, vector<512x64xf32>
    %add3A_12 = arith.addf %add3A, %get3A_11 : vector<512x64xf32>
    %get3A_13 = arith.constant 0 : index
    %get3A_14 = arith.constant 0 : index
    %get3A_15 = arith.constant 64 : index
    %get3A_16 = vector.load %arg1[%get3A_13, %get3A_14, %get3A_15] : memref<2x512x80xf32, #tpu.memory_space<vmem>>, vector<1x512x16xf32>
    %get3A_17 = vector.shape_cast %get3A_16 : vector<1x512x16xf32> to vector<512x16xf32>
    %get3A_18 = arith.constant 1 : index
    %get3A_19 = arith.constant 0 : index
    %get3A_20 = arith.constant 64 : index
    %get3A_21 = vector.load %arg1[%get3A_18, %get3A_19, %get3A_20] : memref<2x512x80xf32, #tpu.memory_space<vmem>>, vector<1x512x16xf32>
    %get3A_22 = vector.shape_cast %get3A_21 : vector<1x512x16xf32> to vector<512x16xf32>
    %add3A_23 = arith.addf %get3A_17, %get3A_22 : vector<512x16xf32>
    %get3A_24 = arith.constant 0 : index
    %get3A_25 = arith.constant 64 : index
    %get3A_26 = vector.load %arg2[%get3A_24, %get3A_25] : memref<512x80xf32, #tpu.memory_space<vmem>>, vector<512x16xf32>
    %add3A_27 = arith.addf %add3A_23, %get3A_26 : vector<512x16xf32>
    %concatenate3A = tpu.concatenate %add3A_27, %add3A_27, %add3A_27, %add3A_27 in 1 : vector<512x16xf32>, vector<512x16xf32>, vector<512x16xf32>, vector<512x16xf32> -> vector<512x64xf32>
    %div3A = arith.divf %add3A_12, %concatenate3A : vector<512x64xf32>
    %get3A_28 = arith.constant 0 : index
    %get3A_29 = arith.constant 0 : index
    %get3A_30 = vector.load %arg3[%get3A_28, %get3A_29] : memref<1x64xf32, #tpu.memory_space<vmem>>, vector<1x64xf32>
    %add3A_31 = vector.broadcast %get3A_30 : vector<1x64xf32> to vector<512x64xf32>
    %add3A_32 = arith.addf %div3A, %add3A_31 : vector<512x64xf32>
    %gt3A = arith.constant 0.000000e+00 : f32
    %gt3A_33 = vector.broadcast %gt3A : f32 to vector<512x64xf32>
    %gt3A_34 = arith.cmpf ogt, %add3A_32, %gt3A_33 : vector<512x64xf32>
    %min3A = arith.constant 0.000000e+00 : f32
    %min3A_35 = vector.broadcast %min3A : f32 to vector<512x64xf32>
    %min3A_36 = arith.minimumf %add3A_32, %min3A_35 : vector<512x64xf32>
    %exp3A = math.exp %min3A_36 : vector<512x64xf32>
    %sub3A = arith.constant 1.000000e+00 : f32
    %sub3A_37 = vector.broadcast %sub3A : f32 to vector<512x64xf32>
    %sub3A_38 = arith.subf %exp3A, %sub3A_37 : vector<512x64xf32>
    %select_n3A = arith.select %gt3A_34, %add3A_32, %sub3A_38 : vector<512x64xi1>, vector<512x64xf32>
    %get3A_39 = arith.constant 0 : index
    %get3A_40 = arith.constant 0 : index
    %get3A_41 = vector.load %arg4[%get3A_39, %get3A_40] : memref<64x64xf32, #tpu.memory_space<vmem>>, vector<64x64xf32>
    %dot_general3A = arith.constant dense<0.000000e+00> : vector<512x64xf32>
    %dot_general3A_42 = tpu.matmul %select_n3A, %get3A_41, %dot_general3A {dimension_numbers = #tpu.dot_dimension_numbers<[1], [0], [0], [1], [0, 0, 1, 1], [], []>, transpose_lhs_hint = false} : vector<512x64xf32>, vector<64x64xf32>, vector<512x64xf32> -> vector<512x64xf32>
    %get3A_43 = arith.constant 0 : index
    %get3A_44 = arith.constant 0 : index
    %get3A_45 = vector.load %arg5[%get3A_43, %get3A_44] : memref<64x16xf32, #tpu.memory_space<vmem>>, vector<64x16xf32>
    %dot_general3A_46 = arith.constant dense<0.000000e+00> : vector<512x16xf32>
    %dot_general3A_47 = tpu.matmul %dot_general3A_42, %get3A_45, %dot_general3A_46 {dimension_numbers = #tpu.dot_dimension_numbers<[1], [0], [0], [1], [0, 0, 1, 1], [], []>, transpose_lhs_hint = false} : vector<512x64xf32>, vector<64x16xf32>, vector<512x16xf32> -> vector<512x16xf32>
    %get3A_48 = arith.constant 0 : index
    %get3A_49 = arith.constant 0 : index
    %get3A_50 = vector.load %arg6[%get3A_48, %get3A_49] : memref<64x16xf32, #tpu.memory_space<vmem>>, vector<64x16xf32>
    %dot_general3A_51 = arith.constant dense<0.000000e+00> : vector<512x16xf32>
    %dot_general3A_52 = tpu.matmul %dot_general3A_42, %get3A_50, %dot_general3A_51 {dimension_numbers = #tpu.dot_dimension_numbers<[1], [0], [0], [1], [0, 0, 1, 1], [], []>, transpose_lhs_hint = false} : vector<512x64xf32>, vector<64x16xf32>, vector<512x16xf32> -> vector<512x16xf32>
    %add3A_53 = arith.addf %dot_general3A_47, %dot_general3A_52 : vector<512x16xf32>
    %ge3A = arith.constant 0.000000e+00 : f32
    %ge3A_54 = vector.broadcast %ge3A : f32 to vector<512x16xf32>
    %ge3A_55 = arith.cmpf oge, %add3A_53, %ge3A_54 : vector<512x16xf32>
    %mul3A = arith.constant 2.000000e-01 : f32
    %mul3A_56 = vector.broadcast %mul3A : f32 to vector<512x16xf32>
    %mul3A_57 = arith.mulf %mul3A_56, %add3A_53 : vector<512x16xf32>
    %select_n3A_58 = arith.select %ge3A_55, %add3A_53, %mul3A_57 : vector<512x16xi1>, vector<512x16xf32>
    %exp3A_59 = math.exp %select_n3A_58 : vector<512x16xf32>
    %concatenate3A_60 = tpu.concatenate %exp3A_59, %exp3A_59, %exp3A_59, %exp3A_59 in 1 : vector<512x16xf32>, vector<512x16xf32>, vector<512x16xf32>, vector<512x16xf32> -> vector<512x64xf32>
    %concatenate3A_61 = tpu.concatenate %dot_general3A_47, %dot_general3A_42 in 1 : vector<512x16xf32>, vector<512x64xf32> -> vector<512x80xf32>
    %swap3A = arith.constant 0 : index
    %swap3A_62 = arith.constant 0 : index
    %swap3A_63 = vector.load %arg7[%swap3A, %swap3A_62] : memref<512x80xf32, #tpu.memory_space<vmem>>, vector<512x80xf32>
    tpu.vector_store %arg7[%swap3A, %swap3A_62], %concatenate3A_61 {strides = array<i32>} : memref<512x80xf32, #tpu.memory_space<vmem>>, vector<512x80xf32>,
    %swap3A_64 = arith.constant 0 : index
    %swap3A_65 = arith.constant 0 : index
    %swap3A_66 = vector.load %arg8[%swap3A_64, %swap3A_65] : memref<512x16xf32, #tpu.memory_space<vmem>>, vector<512x16xf32>
    tpu.vector_store %arg8[%swap3A_64, %swap3A_65], %dot_general3A_52 {strides = array<i32>} : memref<512x16xf32, #tpu.memory_space<vmem>>, vector<512x16xf32>,
    %mul3A_67 = arith.mulf %concatenate3A_60, %dot_general3A_42 : vector<512x64xf32>
    %concatenate3A_68 = tpu.concatenate %mul3A_67, %exp3A_59 in 1 : vector<512x64xf32>, vector<512x16xf32> -> vector<512x80xf32>
    %swap3A_69 = arith.constant 0 : index
    %swap3A_70 = arith.constant 0 : index
    %swap3A_71 = vector.load %arg9[%swap3A_69, %swap3A_70] : memref<512x80xf32, #tpu.memory_space<vmem>>, vector<512x80xf32>
    tpu.vector_store %arg9[%swap3A_69, %swap3A_70], %concatenate3A_68 {strides = array<i32>} : memref<512x80xf32, #tpu.memory_space<vmem>>, vector<512x80xf32>,
    return
  }
  func.func @transform_0(%arg0: i32) -> (i32, i32, i32) {
    %c0_i32 = arith.constant 0 : i32
    %c0_i32_0 = arith.constant 0 : i32
    %c0_i32_1 = arith.constant 0 : i32
    return %c0_i32, %arg0, %c0_i32_0 : i32, i32, i32
  }
  func.func @transform_1(%arg0: i32) -> (i32, i32) {
    %c0_i32 = arith.constant 0 : i32
    %c0_i32_0 = arith.constant 0 : i32
    return %arg0, %c0_i32 : i32, i32
  }
  func.func @transform_2(%arg0: i32) -> (i32, i32) {
    %c0_i32 = arith.constant 0 : i32
    %c0_i32_0 = arith.constant 0 : i32
    %c0_i32_1 = arith.constant 0 : i32
    return %c0_i32, %c0_i32_0 : i32, i32
  }
  func.func @transform_3(%arg0: i32) -> (i32, i32) {
    %c0_i32 = arith.constant 0 : i32
    %c0_i32_0 = arith.constant 0 : i32
    %c0_i32_1 = arith.constant 0 : i32
    return %c0_i32, %c0_i32_0 : i32, i32
  }
  func.func @transform_4(%arg0: i32) -> (i32, i32) {
    %c0_i32 = arith.constant 0 : i32
    %c0_i32_0 = arith.constant 0 : i32
    %c0_i32_1 = arith.constant 0 : i32
    return %c0_i32, %c0_i32_0 : i32, i32
  }
  func.func @transform_5(%arg0: i32) -> (i32, i32) {
    %c0_i32 = arith.constant 0 : i32
    %c0_i32_0 = arith.constant 0 : i32
    %c0_i32_1 = arith.constant 0 : i32
    return %c0_i32, %c0_i32_0 : i32, i32
  }
  func.func @transform_6(%arg0: i32) -> (i32, i32) {
    %c0_i32 = arith.constant 0 : i32
    %c0_i32_0 = arith.constant 0 : i32
    return %arg0, %c0_i32 : i32, i32
  }
  func.func @transform_7(%arg0: i32) -> (i32, i32) {
    %c0_i32 = arith.constant 0 : i32
    %c0_i32_0 = arith.constant 0 : i32
    return %arg0, %c0_i32 : i32, i32
  }
  func.func @transform_8(%arg0: i32) -> (i32, i32) {
    %c0_i32 = arith.constant 0 : i32
    %c0_i32_0 = arith.constant 0 : i32
    return %arg0, %c0_i32 : i32, i32
  }
}

module attributes {stable_mosaic.version = 14 : i64} {
  func.func @_final_body(%arg0: i32, %arg1: memref<2x512x80xf32, #tpu.memory_space<vmem>>, %arg2: memref<512x80xf32, #tpu.memory_space<vmem>>, %arg3: memref<1x64xf32, #tpu.memory_space<vmem>>, %arg4: memref<512x64xf32, #tpu.memory_space<vmem>>) attributes {dimension_semantics = [#tpu.dimension_semantics<arbitrary>], iteration_bounds = array<i64: 20>, scalar_prefetch = 0 : i64, scratch_operands = 0 : i64, tpu.core_type = #tpu.core_type<tc>, window_params = [{transform_indices = @transform_0, window_bounds = array<i64: 2, 512, 80>}, {transform_indices = @transform_1, window_bounds = array<i64: 512, 80>}, {pipeline_mode = #tpu.pipeline_mode<synchronous>, transform_indices = @transform_2, window_bounds = array<i64: 1, 64>}, {transform_indices = @transform_3, window_bounds = array<i64: 512, 64>}]} {
    %get3A = arith.constant 0 : index
    %get3A_0 = arith.constant 0 : index
    %get3A_1 = arith.constant 0 : index
    %get3A_2 = vector.load %arg1[%get3A, %get3A_0, %get3A_1] : memref<2x512x80xf32, #tpu.memory_space<vmem>>, vector<1x512x64xf32>
    %get3A_3 = vector.shape_cast %get3A_2 : vector<1x512x64xf32> to vector<512x64xf32>
    %get3A_4 = arith.constant 1 : index
    %get3A_5 = arith.constant 0 : index
    %get3A_6 = arith.constant 0 : index
    %get3A_7 = vector.load %arg1[%get3A_4, %get3A_5, %get3A_6] : memref<2x512x80xf32, #tpu.memory_space<vmem>>, vector<1x512x64xf32>
    %get3A_8 = vector.shape_cast %get3A_7 : vector<1x512x64xf32> to vector<512x64xf32>
    %add3A = arith.addf %get3A_3, %get3A_8 : vector<512x64xf32>
    %get3A_9 = arith.constant 0 : index
    %get3A_10 = arith.constant 0 : index
    %get3A_11 = vector.load %arg2[%get3A_9, %get3A_10] : memref<512x80xf32, #tpu.memory_space<vmem>>, vector<512x64xf32>
    %add3A_12 = arith.addf %add3A, %get3A_11 : vector<512x64xf32>
    %get3A_13 = arith.constant 0 : index
    %get3A_14 = arith.constant 0 : index
    %get3A_15 = arith.constant 64 : index
    %get3A_16 = vector.load %arg1[%get3A_13, %get3A_14, %get3A_15] : memref<2x512x80xf32, #tpu.memory_space<vmem>>, vector<1x512x16xf32>
    %get3A_17 = vector.shape_cast %get3A_16 : vector<1x512x16xf32> to vector<512x16xf32>
    %get3A_18 = arith.constant 1 : index
    %get3A_19 = arith.constant 0 : index
    %get3A_20 = arith.constant 64 : index
    %get3A_21 = vector.load %arg1[%get3A_18, %get3A_19, %get3A_20] : memref<2x512x80xf32, #tpu.memory_space<vmem>>, vector<1x512x16xf32>
    %get3A_22 = vector.shape_cast %get3A_21 : vector<1x512x16xf32> to vector<512x16xf32>
    %add3A_23 = arith.addf %get3A_17, %get3A_22 : vector<512x16xf32>
    %get3A_24 = arith.constant 0 : index
    %get3A_25 = arith.constant 64 : index
    %get3A_26 = vector.load %arg2[%get3A_24, %get3A_25] : memref<512x80xf32, #tpu.memory_space<vmem>>, vector<512x16xf32>
    %add3A_27 = arith.addf %add3A_23, %get3A_26 : vector<512x16xf32>
    %concatenate3A = tpu.concatenate %add3A_27, %add3A_27, %add3A_27, %add3A_27 in 1 : vector<512x16xf32>, vector<512x16xf32>, vector<512x16xf32>, vector<512x16xf32> -> vector<512x64xf32>
    %div3A = arith.divf %add3A_12, %concatenate3A : vector<512x64xf32>
    %get3A_28 = arith.constant 0 : index
    %get3A_29 = arith.constant 0 : index
    %get3A_30 = vector.load %arg3[%get3A_28, %get3A_29] : memref<1x64xf32, #tpu.memory_space<vmem>>, vector<1x64xf32>
    %add3A_31 = vector.broadcast %get3A_30 : vector<1x64xf32> to vector<512x64xf32>
    %add3A_32 = arith.addf %div3A, %add3A_31 : vector<512x64xf32>
    %reduce_max3A = arith.constant dense<0xFF800000> : vector<512xf32>
    %reduce_max3A_33 = vector.multi_reduction <maximumf>, %add3A_32, %reduce_max3A [1] : vector<512x64xf32> to vector<512xf32>
    %broadcast_in_dim3A = vector.shape_cast %reduce_max3A_33 : vector<512xf32> to vector<512x1xf32>
    %sub3A = vector.broadcast %broadcast_in_dim3A : vector<512x1xf32> to vector<512x64xf32>
    %sub3A_34 = arith.subf %add3A_32, %sub3A : vector<512x64xf32>
    %exp3A = math.exp %sub3A_34 : vector<512x64xf32>
    %reduce_sum3A = arith.constant dense<0.000000e+00> : vector<512xf32>
    %reduce_sum3A_35 = vector.multi_reduction <add>, %exp3A, %reduce_sum3A [1] : vector<512x64xf32> to vector<512xf32>
    %broadcast_in_dim3A_36 = vector.shape_cast %reduce_sum3A_35 : vector<512xf32> to vector<512x1xf32>
    %log3A = math.log %broadcast_in_dim3A_36 : vector<512x1xf32>
    %sub3A_37 = vector.broadcast %log3A : vector<512x1xf32> to vector<512x64xf32>
    %sub3A_38 = arith.subf %sub3A_34, %sub3A_37 : vector<512x64xf32>
    %swap3A = arith.constant 0 : index
    %swap3A_39 = arith.constant 0 : index
    %swap3A_40 = vector.load %arg4[%swap3A, %swap3A_39] : memref<512x64xf32, #tpu.memory_space<vmem>>, vector<512x64xf32>
    tpu.vector_store %arg4[%swap3A, %swap3A_39], %sub3A_38 {strides = array<i32>} : memref<512x64xf32, #tpu.memory_space<vmem>>, vector<512x64xf32>,
    return
  }
  func.func @transform_0(%arg0: i32) -> (i32, i32, i32) {
    %c0_i32 = arith.constant 0 : i32
    %c0_i32_0 = arith.constant 0 : i32
    %c0_i32_1 = arith.constant 0 : i32
    return %c0_i32, %arg0, %c0_i32_0 : i32, i32, i32
  }
  func.func @transform_1(%arg0: i32) -> (i32, i32) {
    %c0_i32 = arith.constant 0 : i32
    %c0_i32_0 = arith.constant 0 : i32
    return %arg0, %c0_i32 : i32, i32
  }
  func.func @transform_2(%arg0: i32) -> (i32, i32) {
    %c0_i32 = arith.constant 0 : i32
    %c0_i32_0 = arith.constant 0 : i32
    %c0_i32_1 = arith.constant 0 : i32
    return %c0_i32, %c0_i32_0 : i32, i32
  }
  func.func @transform_3(%arg0: i32) -> (i32, i32) {
    %c0_i32 = arith.constant 0 : i32
    %c0_i32_0 = arith.constant 0 : i32
    return %arg0, %c0_i32 : i32, i32
  }
}

</mosaic_0001>

<sc_bundles>
// kernel: kernel.10.cloned.1.call-start
scs
__scs_entry_jumppad:
0x0: {  	(pc) =	sbr.rel $0x88, $3  }
0x1: {  	(tag) =	ssettag $0x0;
	lr =	simm.s32 $0x1  }
0x2: {  	[smem:$0x3F97] =	sst lr;
	_ =	strace $0xD0000000  }
0x3: {  	_ = 	snop  }
0x4: {  	_ = 	snop  }
0x5: {  	_ = 	snop  }
0x6: {  	_ = 	snop  }
0x7: {  	_ = 	snop  }
__scs_overlays_trampoline_lowered:
0x8: {  	[smem:$0x3FA6] =	sst s0  }
0x9: {  	[smem:$0x3FA7] =	sst s1  }
0xa: {  	[smem:$0x3FA8] =	sst s2  }
0xb: {  	[smem:$0x3FA9] =	sst s3  }
0xc: {  	[smem:$0x3FAA] =	sst s4  }
0xd: {  	[smem:$0x3FAB] =	sst s5  }
0xe: {  	[smem:$0x3FAC] =	sst s6  }
0xf: {  	[smem:$0x3FAD] =	sst s7  }
0x10: {  	[smem:$0x3FAE] =	sst s8  }
0x11: {  	[smem:$0x3FAF] =	sst s9;
	s0 =	simm.s32 @!p0 $0x0  }
0x12: {  	s1 =	sld [smem:$0x3F95];
	s0 =	simm.s32 @p0 $0x1  }
0x13: {  	[smem:$0x3FB0] =	sst s0;
	s0 =	simm.s32 @!p1 $0x0  }
0x14: {  	s2 =	sld [smem:$0x3F94];
	s0 =	simm.s32 @p1 $0x1  }
0x15: {  	[smem:$0x3FB1] =	sst s0;
	s0 =	simm.s32 @!p2 $0x0  }
0x16: {  	s3 =	sld [smem:$0x3FDB];
	s0 =	simm.s32 @p2 $0x1  }
0x17: {  	s4 =	simm.s32 $0x1BF5;
	[smem:$0x3FB3] =	sst s0  }
0x18: {  	s0 =	sld [smem:$0x3F96];
	_ =	swait.ge [sflag:s4], $0x0  }
0x19: {  	s7 =	sld [smem:$0x3F97]  }
0x1a: {  	s8 =	sadd.s32 $0xFFFFE003, lr  }
0x1b: {  	s9 =	sadd.s32 $0xFFFFFEF7, lr;
	s5 =	simm.s32 $0xFFFFFFFF;
	p2 =	slt.u32 s8, $0xFFFFF086  }
0x1c: {  	p1 =	slt.u32 s9, $0xF7A;
	s5 =	simm.s32 @!p2 $0x0  }
0x1d: {  	s5 =	simm.s32 @p1 $0x1;
	p0 =	seq.s32 s7, s2  }
0x1e: {  	s7 =	smul.u32 @!p0 $0xF7A, s2;
	p2 =	seq.s32 @!p0 s5, $0x0  }
0x1f: {  	s9 =	smul.u32 $0xF7A, s1;
	s8 =	simm.s32 @!p0 $0x1BF5;
	p2 =	por !p2, p0  }
0x20: {  	[sflag:s8] =	ssyncset.s32 @!p0 $0xFFFFF086;
	s6 =	sadd.s32 @!p0 s3, s7;
	s7 =	simm.s32 @!p0 $0x108  }
0x21: {  	s3 =	sadd.s32 s3, s9;
	s6 =	sadd.s32 @!p0 $0x88, s6;
	s7 =	simm.s32 @p2 $0x1082  }
0x22: {  	[simem:s7], [sflag:s8] =	dma.local @!p0 [hbm:s6], $0xF7A  }
0x23: {  	s9 =	sor.u32 $0xD0000000, s2;
	s6 =	simm.s32 $0x108;
	_ =	swait.ge @!p0 [sflag:s8], $0x0  }
0x24: {  	s3 =	sadd.s32 $0x88, s3;
	s6 =	simm.s32 @!p1 $0x1082;
	[sflag:s4] =	ssyncset.s32 $0xFFFFF086  }
0x25: {  	[simem:s6], [sflag:s4] =	dma.local [hbm:s3], $0xF7A  }
0x26: {  	[smem:$0x3F97] =	sst s1;
	(tag) =	ssettag s2;
	_ =	strace s9  }
0x27: {  	s1 =	sld [smem:$0x3FA7]  }
0x28: {  	s2 =	sld [smem:$0x3FA8]  }
0x29: {  	s4 =	sld [smem:$0x3FAA]  }
0x2a: {  	p0 =	seq.s32 s5, $0x0;
	s5 =	sld [smem:$0x3FAB]  }
0x2b: {  	s6 =	sld [smem:$0x3FAC]  }
0x2c: {  	s7 =	sld [smem:$0x3FAD]  }
0x2d: {  	s3 =	simm.s32 $0x108;
	s8 =	sld [smem:$0x3FAE]  }
0x2e: {  	s3 =	simm.s32 @!p0 $0x1082;
	s9 =	sld [smem:$0x3FAF]  }
0x2f: {  	lr =	sadd.s32 s0, s3;
	s0 =	sld [smem:$0x3FA6]  }
0x30: {  	s3 =	sld [smem:$0x3FA9]  }
0x31: {  	[smem:$0x3FB2] =	sst s10  }
0x32: {  	s10 =	sld [smem:$0x3FB0];
	_ =	sdelay $0x3  }
0x33: {  	p0 =	seq.s32 s10, $0x1;
	s10 =	sld [smem:$0x3FB2];
	_ =	sdelay $0x3  }
0x34: {  	[smem:$0x3FB2] =	sst s10  }
0x35: {  	s10 =	sld [smem:$0x3FB1];
	_ =	sdelay $0x3  }
0x36: {  	p1 =	seq.s32 s10, $0x1;
	s10 =	sld [smem:$0x3FB2];
	_ =	sdelay $0x3  }
0x37: {  	[smem:$0x3FB2] =	sst s10  }
0x38: {  	s10 =	sld [smem:$0x3FB3]  }
0x39: {  	_ = 	snop;
	(pc) =	sbr.ind lr, $3  }
0x3a: {  	_ = 	snop  }
0x3b: {  	_ = 	snop  }
0x3c: {  	p2 =	seq.s32 s10, $0x1;
	s10 =	sld [smem:$0x3FB2]  }
0x3d: {  	_ =	shalt  }
0x3e: {  	_ =	shalt  }
0x3f: {  	_ =	shalt  }
0x40: {  	_ =	shalt  }
0x41: {  	_ =	shalt  }
0x42: {  	_ =	shalt  }
0x43: {  	_ =	shalt  }
0x44: {  	_ =	shalt  }
0x45: {  	_ =	shalt  }
0x46: {  	_ =	shalt  }
0x47: {  	_ =	shalt  }
0x48: {  	_ =	shalt  }
0x49: {  	_ =	shalt  }
0x4a: {  	_ =	shalt  }
0x4b: {  	_ =	shalt  }
0x4c: {  	_ =	shalt  }
0x4d: {  	_ =	shalt  }
0x4e: {  	_ =	shalt  }
0x4f: {  	_ =	shalt  }
0x50: {  	_ =	shalt  }
0x51: {  	_ =	shalt  }
0x52: {  	_ =	shalt  }
0x53: {  	_ =	shalt  }
0x54: {  	_ =	shalt  }
0x55: {  	_ =	shalt  }
0x56: {  	_ =	shalt  }
0x57: {  	_ =	shalt  }
0x58: {  	_ =	shalt  }
0x59: {  	_ =	shalt  }
0x5a: {  	_ =	shalt  }
0x5b: {  	_ =	shalt  }
0x5c: {  	_ =	shalt  }
0x5d: {  	_ =	shalt  }
0x5e: {  	_ =	shalt  }
0x5f: {  	_ =	shalt  }
0x60: {  	_ =	shalt  }
0x61: {  	_ =	shalt  }
0x62: {  	_ =	shalt  }
0x63: {  	_ =	shalt  }
0x64: {  	_ =	shalt  }
0x65: {  	_ =	shalt  }
0x66: {  	_ =	shalt  }
0x67: {  	_ =	shalt  }
0x68: {  	_ =	shalt  }
0x69: {  	_ =	shalt  }
0x6a: {  	_ =	shalt  }
0x6b: {  	_ =	shalt  }
0x6c: {  	_ =	shalt  }
0x6d: {  	_ =	shalt  }
0x6e: {  	_ =	shalt  }
0x6f: {  	_ =	shalt  }
0x70: {  	_ =	shalt  }
0x71: {  	_ =	shalt  }
0x72: {  	_ =	shalt  }
0x73: {  	_ =	shalt  }
0x74: {  	_ =	shalt  }
0x75: {  	_ =	shalt  }
0x76: {  	_ =	shalt  }
0x77: {  	_ =	shalt  }
0x78: {  	_ =	shalt  }
0x79: {  	_ =	shalt  }
0x7a: {  	_ =	shalt  }
0x7b: {  	_ =	shalt  }
0x7c: {  	_ =	shalt  }
0x7d: {  	_ =	shalt  }
0x7e: {  	_ =	shalt  }
0x7f: {  	_ =	shalt  }
0x80: {  	_ =	shalt  }
0x81: {  	_ =	shalt  }
0x82: {  	_ =	shalt  }
0x83: {  	_ =	shalt  }
0x84: {  	_ =	shalt  }
0x85: {  	_ =	shalt  }
0x86: {  	_ =	shalt  }
0x87: {  	_ =	shalt  }
.Lfunc_end0:
.L_simem_size_0:
called_computation.1_lowered:
.L_overlay_start_0:
0x88: {  	s2 =	sld [smem:$0x3FD9]  }
0x89: {  	s3 =	sld [smem:$0x3FFE];
	_ =	sdelay $0x1  }
0x8a: {  	s1 =	srdreg.scid  }
0x8b: {  	s0 =	sand.u32 $0x1, s1  }
0x8c: {  	s16 =	sshll.u32 s0, $0xA;
	s2 =	sadd.s32 s3, s2  }
0x8d: {  	s2 =	sadd.s32 s2, s16  }
0x8e: {  	[smem:$0x3FBE] =	sst s2  }
0x8f: {  	_ = 	snop  }
0x90: {  	(tm) =	ssettm $0x1  }
0x91: {  	s17 =	sld [smem:$0x3FFB];
	_ =	sdelay $0x3  }
0x92: {  	_ =	strace s17  }
0x93: {  	s2 =	sld [smem:$0x3FFC];
	_ =	sdelay $0x3  }
0x94: {  	_ =	strace s2  }
0x95: {  	s2 =	sld [smem:$0x3FFD];
	_ =	sdelay $0x3  }
0x96: {  	_ =	strace s2  }
0x97: {  	_ =	strace $0x8FFFFFFF  }
0x98: {  	s18 =	sld [smem:$0x3FDB];
	_ =	sdelay $0x1  }
0x99: {  	s19 =	simm.s32 $_scs_section_size  }
0x9a: {  	s4 =	simm.s32 $_size__tile_overlayer_lowered;
	s5 =	simm.s32 $_tile_overlayer_lowered  }
0x9b: {  	s22 =	simm.s32 $0x1BFF;
	s21 =	sshll.u32 s5, $0x1;
	s2 =	sadd.s32 s19, s18  }
0x9c: {  	s6 =	simm.s32 $0x0;
	s20 =	sshll.u32 s4, $0x1;
	s4 =	sadd.s32 s21, s2  }
0x9d: {  	[timem:s6], [sflag:s22] =	dma.local [hbm:s4], s20  }
0x9e: {  	_ =	swait.ge [sflag:s22], s20  }
0x9f: {  	s3 =	ssub.s32 $0x0, s20;
	[sflag:s22] =	ssyncset.done $0x0  }
0xa0: {  	[sflag:s22] =	ssyncadd.s32 s3;
	_ =	sdelay $0x1  }
0xa1: {  	s23 =	simm.s32 $0x1B8B  }
0xa2: {  	_ =	swait.ge [sflag:s23], $0x1  }
0xa3: {  	[sflag:s23] =	ssyncset.done $0x0  }
0xa4: {  	s25 =	simm.s32 $0x1B8E;
	s24 =	sld [smem:$0x3FFE];
	[sflag:s23] =	ssyncadd.s32 $0xFFFFFFFF  }
0xa5: {  	s26 =	simm.s32 $execute0_lowered;
	[smem:$0x3FD2] =	sst s25  }
0xa6: {  	s4 =	sshll.u32 s26, $0x1;
	_ =	strace $0x80000049;
	[dreg:$0x1] =	wrdreg $0xFFFFFFFF  }
0xa7: {  	s28 =	simm.s32 $_size_execute0_lowered;
	s2 =	sadd.s32 s2, s4;
	[dreg:$0x0] =	wrdreg $0x0  }
0xa8: {  	s4 =	sshll.u32 s28, $0x1;
	[dreg:$0x2] =	wrdreg s2  }
0xa9: {  	[dreg:$0x3] =	wrdreg s4  }
0xaa: {  	[dreg:$0x4] =	wrdreg $0xC0  }
0xab: {  	_ =	task [dreg:s6], $0x5FFFF  }
0xac: {  	[dreg:$0x1] =	wrdreg $0xFFFFFFFF  }
0xad: {  	[dreg:$0x0] =	wrdreg $0x60  }
0xae: {  	[dreg:$0x2] =	wrdreg s24  }
0xaf: {  	[dreg:$0x3] =	wrdreg $0x28000  }
0xb0: {  	[dreg:$0x4] =	wrdreg $0x9  }
0xb1: {  	_ =	task.clear_ibuf [dreg:s6], $0x5FFFF;
	_ =	strace $0x90000049  }
0xb2: {  	s29 =	simm.s32 $0x9;
	_ =	strace $0x8000004B  }
0xb3: {  	_ =	swait.ge [sflag:s29], $0x1  }
0xb4: {  	[sflag:s29] =	ssyncadd.s32 $0xFFFFFFFF  }
0xb5: {  	_ =	strace $0x9000004B  }
0xb6: {  	_ =	sfence  }
0xb7: {  	s30 =	sld [smem:$0x0];
	_ =	sdelay $0x2  }
0xb8: {  	s31 =	sshll.u32 s1, $0xD;
	s1 =	sshrl.u32 s1, $0x2  }
0xb9: {  	s3 =	sand.u32 $0x4000, s31;
	s1 =	sadd.s32 s1, s30  }
0xba: {  	s0 =	sor.u32 s3, s0;
	s1 =	sshll.u32 s1, $0x11  }
0xbb: {  	s0 =	sor.u32 s1, s0  }
0xbc: {  	s0 =	sadd.s32 $0x8F2B, s0  }
0xbd: {  	[sflag:s0] =	ssyncadd.remote.s32 $0x1  }
0xbe: {  	_ =	sfence.sel $0xFFFF  }
0xbf: {  	[dreg:$0x0] =	wrdreg $0xFFFFFFFF;
	(pc) =	sbr.abs _section_cstart, $3  }
0xc0: {  	[dreg:$0x1] =	wrdreg $0xFFFFFFFF  }
0xc1: {  	_ =	task.clear_ibuf [dreg:s6], $0x2FFFF;
	_ =	strace $0x9FFFFFFF  }
0xc2: {  	(tm) =	ssettm $0x7FFFFFFF  }
0xc3: {  	_ =	shalt  }
tec
execute0_lowered:
.L_overlay_start_1:
0x0: {  	(tag) =	ssettag $0x1  }
0x1: {  	s0 =	srdreg.scid  }
0x2: {  	s10 =	sand.u32 $0x1, s0  }
0x3: {  	s0 =	stileid.u32;
	s1 =	sshll.u32 s10, $0x4  }
0x4: {  	s11 =	rddreg [dreg:$0x0];
	s1 =	sor.u32 s0, s1  }
0x5: {  	s8 =	rddreg [dreg:$0x1];
	s2 =	simm.s32 $0x0;
	s3 =	smul.u32 $0x280, s1  }
0x6: {  	[smem:$0x7FF] =	sst s2  }
0x7: {  	s1 =	rddreg [dreg:$0x2];
	s5 =	sadd.s32 s3, s11  }
0x8: {  	_ =	strace $0x8000004A;
	s3 =	simm.s32 $0x1;
	s4 =	sadd.s32 $0x6400, s5  }
0x9: {  	[tilespmem:s2], [sflag:$0x1] =	stream.linear.gather [hbm4b:s4+s2], $0x1400, $0x38;
	[tilespmem:$0xF000] =	vst v63  }
0xa: {  	s6 =	simm.s32 $0x1400;
	s12 =	smul.u32 $0xC800, s0;
	_ =	swait.ge [sflag:s3], $0x1400  }
0xb: {  	s7 =	sadd.s32 $0x24400, s11;
	s13 =	smul.u32 $0xC8000, s10;
	[sflag:s3] =	ssyncset.done $0x0  }
0xc: {  	s10 =	ssub.s32 $0x2, s10;
	s5 =	sadd.s32 $0x1400, s5;
	[sflag:s3] =	ssyncadd.s32 $0xFFFFEC00  }
0xd: {  	[tilespmem:s6], [sflag:$0x1] =	stream.linear.gather [hbm4b:s5+s2], $0x1400, $0x38;
	[tilespmem:$0xF000] =	vst v63  }
0xe: {  	s28 =	sshll.u32 s0, $0x6;
	s29 =	sshrl.u32 s10, $0x1;
	_ =	swait.ge [sflag:s3], $0x1400  }
0xf: {  	s9 =	sadd.s32 s12, s8;
	s8 =	sor.u32 $0x1C01, s28;
	[sflag:s3] =	ssyncset.done $0x0  }
0x10: {  	s30 =	ssub.s32 s10, s29;
	s9 =	sshrl.u32 s9, $0x3;
	[sflag:s3] =	ssyncadd.s32 $0xFFFFEC00  }
0x11: {  	[spmem:s9], [sflag:s8] =	dma.local [hbm:s7], $0x1900  }
0x12: {  	s12 =	sadd.s32 s12, s13;
	s31 =	smax.u32 s30, $0x1;
	_ =	swait.ge [sflag:s3], $0x1900  }
0x13: {  	s12 =	sshrl.u32 s12, $0x3;
	p0 =	sne.s32 s31, $0x1;
	[sflag:s3] =	ssyncset.done $0x0  }
.Ltmp0:
0x14: {  	s11 =	sadd.s32 s12, s11;
	[sflag:s3] =	ssyncadd.s32 $0xFFFFE700;
	(pc) =	sbr.rel @!p0 .LBB2_2-.Ltmp0, $4  }
0x15: {  	s10 =	sadd.s32 $0x25E00, s11;
	[bflag:$0x0] =	sbarrier.arrive $0xFFFF  }
0x16: {  	[hbm:s10], [sflag:s8] =	dma.local [spmem:s9], $0x1900  }
0x17: {  	_ =	swait.ge [sflag:s3], $0x1900  }
0x18: {  	s11 =	sadd.s32 $0xFFFFFFFF, s31;
	[sflag:s3] =	ssyncset.done $0x0  }
.LBB2_1:
0x19: {  	p0 =	sne.s32 s11, $0x1;
	s11 =	sadd.s32 $0xFFFFFFFF, s11;
	[sflag:s3] =	ssyncadd.s32 $0xFFFFE700  }
0x1a: {  	[tilespmem:s2], [sflag:$0x1] =	stream.linear.gather [hbm4b:s4+s2], $0x1400, $0x38;
	[tilespmem:$0xF000] =	vst v63  }
0x1b: {  	_ =	swait.ge [sflag:s3], $0x1400  }
0x1c: {  	[sflag:s3] =	ssyncset.done $0x0  }
0x1d: {  	[sflag:s3] =	ssyncadd.s32 $0xFFFFEC00  }
0x1e: {  	[tilespmem:s6], [sflag:$0x1] =	stream.linear.gather [hbm4b:s5+s2], $0x1400, $0x38;
	[tilespmem:$0xF000] =	vst v63  }
0x1f: {  	_ =	swait.ge [sflag:s3], $0x1400  }
0x20: {  	[sflag:s3] =	ssyncset.done $0x0  }
0x21: {  	[sflag:s3] =	ssyncadd.s32 $0xFFFFEC00  }
0x22: {  	[spmem:s9], [sflag:s8] =	dma.local [hbm:s7], $0x1900  }
0x23: {  	_ =	swait.ge [sflag:s3], $0x1900  }
0x24: {  	[sflag:s3] =	ssyncset.done $0x0  }
.Ltmp1:
0x25: {  	[sflag:s3] =	ssyncadd.s32 $0xFFFFE700;
	(pc) =	sbr.rel @p0 .LBB2_1-.Ltmp1, $4  }
0x26: {  	[bflag:$0x0] =	sbarrier.arrive $0xFFFF  }
0x27: {  	[hbm:s10], [sflag:s8] =	dma.local [spmem:s9], $0x1900  }
0x28: {  	_ =	swait.ge [sflag:s3], $0x1900  }
0x29: {  	[sflag:s3] =	ssyncset.done $0x0  }
.LBB2_2:
0x2a: {  	[sflag:s3] =	ssyncadd.s32 $0xFFFFE700  }
0x2b: {  	_ =	sfence.sel $0x180000  }
0x2c: {  	[bflag:$0x0] =	sbarrier.arrive $0xFFFF  }
0x2d: {  	p0 =	sne.s32 s0, $0x0;
	_ =	strace $0x9000004A  }
0x2e: {  	s0 =	sadd.s32 @!p0 $0x100000, s1;
	[bflag:$0x2] =	sbarrier.arrive $0xFFFF  }
0x2f: {  	[sflag:s0] =	ssyncadd.tile.s32 @!p0 $0x1;
	_ =	shalt  }
.Lfunc_end2:
_tile_overlayer_lowered:
.L_overlay_start_2:
0x30: {  	(tag) =	ssettag $0x2  }
0x31: {  	s0 =	rddreg [dreg:$0x0];
	s2 =	stileid.u32  }
0x32: {  	s1 =	rddreg [dreg:$0x1];
	p0 =	sne.s32 s2, $0x0  }
0x33: {  	s3 =	rddreg [dreg:$0x2];
	[bflag:$0x3] =	sbarrier.arrive $0xFFFF;
	s2 =	simm.s32 @!p0 $0x1C01  }
0x34: {  	[timem:s3], [sflag:s2] =	dma.local @!p0 [hbm:s0], s1  }
0x35: {  	s0 =	simm.s32 @!p0 $0x1  }
0x36: {  	_ =	swait.ge @!p0 [sflag:s0], s1  }
0x37: {  	s1 =	ssub.s32 @!p0 $0x0, s1;
	[sflag:s0] =	ssyncset.done @!p0 $0x0  }
0x38: {  	[sflag:s0] =	ssyncadd.s32 @!p0 s1  }
0x39: {  	[bflag:$0x3] =	sbarrier.arrive $0xFFFF  }
0x3a: {  	_ =	shalt  }

// kernel: kernel.7.cloned.1.call-start
scs
__scs_entry_jumppad:
0x0: {  	(pc) =	sbr.rel $0x88, $3  }
0x1: {  	(tag) =	ssettag $0x0;
	lr =	simm.s32 $0x1  }
0x2: {  	[smem:$0x3F97] =	sst lr;
	_ =	strace $0xD0000000  }
0x3: {  	_ = 	snop  }
0x4: {  	_ = 	snop  }
0x5: {  	_ = 	snop  }
0x6: {  	_ = 	snop  }
0x7: {  	_ = 	snop  }
__scs_overlays_trampoline_lowered:
0x8: {  	[smem:$0x3FA6] =	sst s0  }
0x9: {  	[smem:$0x3FA7] =	sst s1  }
0xa: {  	[smem:$0x3FA8] =	sst s2  }
0xb: {  	[smem:$0x3FA9] =	sst s3  }
0xc: {  	[smem:$0x3FAA] =	sst s4  }
0xd: {  	[smem:$0x3FAB] =	sst s5  }
0xe: {  	[smem:$0x3FAC] =	sst s6  }
0xf: {  	[smem:$0x3FAD] =	sst s7  }
0x10: {  	[smem:$0x3FAE] =	sst s8  }
0x11: {  	[smem:$0x3FAF] =	sst s9;
	s0 =	simm.s32 @!p0 $0x0  }
0x12: {  	s1 =	sld [smem:$0x3F95];
	s0 =	simm.s32 @p0 $0x1  }
0x13: {  	[smem:$0x3FB0] =	sst s0;
	s0 =	simm.s32 @!p1 $0x0  }
0x14: {  	s2 =	sld [smem:$0x3F94];
	s0 =	simm.s32 @p1 $0x1  }
0x15: {  	[smem:$0x3FB1] =	sst s0;
	s0 =	simm.s32 @!p2 $0x0  }
0x16: {  	s3 =	sld [smem:$0x3FDB];
	s0 =	simm.s32 @p2 $0x1  }
0x17: {  	s4 =	simm.s32 $0x1BF5;
	[smem:$0x3FB3] =	sst s0  }
0x18: {  	s0 =	sld [smem:$0x3F96];
	_ =	swait.ge [sflag:s4], $0x0  }
0x19: {  	s7 =	sld [smem:$0x3F97]  }
0x1a: {  	s8 =	sadd.s32 $0xFFFFE003, lr  }
0x1b: {  	s9 =	sadd.s32 $0xFFFFFEF7, lr;
	s5 =	simm.s32 $0xFFFFFFFF;
	p2 =	slt.u32 s8, $0xFFFFF086  }
0x1c: {  	p1 =	slt.u32 s9, $0xF7A;
	s5 =	simm.s32 @!p2 $0x0  }
0x1d: {  	s5 =	simm.s32 @p1 $0x1;
	p0 =	seq.s32 s7, s2  }
0x1e: {  	s7 =	smul.u32 @!p0 $0xF7A, s2;
	p2 =	seq.s32 @!p0 s5, $0x0  }
0x1f: {  	s9 =	smul.u32 $0xF7A, s1;
	s8 =	simm.s32 @!p0 $0x1BF5;
	p2 =	por !p2, p0  }
0x20: {  	[sflag:s8] =	ssyncset.s32 @!p0 $0xFFFFF086;
	s6 =	sadd.s32 @!p0 s3, s7;
	s7 =	simm.s32 @!p0 $0x108  }
0x21: {  	s3 =	sadd.s32 s3, s9;
	s6 =	sadd.s32 @!p0 $0x88, s6;
	s7 =	simm.s32 @p2 $0x1082  }
0x22: {  	[simem:s7], [sflag:s8] =	dma.local @!p0 [hbm:s6], $0xF7A  }
0x23: {  	s9 =	sor.u32 $0xD0000000, s2;
	s6 =	simm.s32 $0x108;
	_ =	swait.ge @!p0 [sflag:s8], $0x0  }
0x24: {  	s3 =	sadd.s32 $0x88, s3;
	s6 =	simm.s32 @!p1 $0x1082;
	[sflag:s4] =	ssyncset.s32 $0xFFFFF086  }
0x25: {  	[simem:s6], [sflag:s4] =	dma.local [hbm:s3], $0xF7A  }
0x26: {  	[smem:$0x3F97] =	sst s1;
	(tag) =	ssettag s2;
	_ =	strace s9  }
0x27: {  	s1 =	sld [smem:$0x3FA7]  }
0x28: {  	s2 =	sld [smem:$0x3FA8]  }
0x29: {  	s4 =	sld [smem:$0x3FAA]  }
0x2a: {  	p0 =	seq.s32 s5, $0x0;
	s5 =	sld [smem:$0x3FAB]  }
0x2b: {  	s6 =	sld [smem:$0x3FAC]  }
0x2c: {  	s7 =	sld [smem:$0x3FAD]  }
0x2d: {  	s3 =	simm.s32 $0x108;
	s8 =	sld [smem:$0x3FAE]  }
0x2e: {  	s3 =	simm.s32 @!p0 $0x1082;
	s9 =	sld [smem:$0x3FAF]  }
0x2f: {  	lr =	sadd.s32 s0, s3;
	s0 =	sld [smem:$0x3FA6]  }
0x30: {  	s3 =	sld [smem:$0x3FA9]  }
0x31: {  	[smem:$0x3FB2] =	sst s10  }
0x32: {  	s10 =	sld [smem:$0x3FB0];
	_ =	sdelay $0x3  }
0x33: {  	p0 =	seq.s32 s10, $0x1;
	s10 =	sld [smem:$0x3FB2];
	_ =	sdelay $0x3  }
0x34: {  	[smem:$0x3FB2] =	sst s10  }
0x35: {  	s10 =	sld [smem:$0x3FB1];
	_ =	sdelay $0x3  }
0x36: {  	p1 =	seq.s32 s10, $0x1;
	s10 =	sld [smem:$0x3FB2];
	_ =	sdelay $0x3  }
0x37: {  	[smem:$0x3FB2] =	sst s10  }
0x38: {  	s10 =	sld [smem:$0x3FB3]  }
0x39: {  	_ = 	snop;
	(pc) =	sbr.ind lr, $3  }
0x3a: {  	_ = 	snop  }
0x3b: {  	_ = 	snop  }
0x3c: {  	p2 =	seq.s32 s10, $0x1;
	s10 =	sld [smem:$0x3FB2]  }
0x3d: {  	_ =	shalt  }
0x3e: {  	_ =	shalt  }
0x3f: {  	_ =	shalt  }
0x40: {  	_ =	shalt  }
0x41: {  	_ =	shalt  }
0x42: {  	_ =	shalt  }
0x43: {  	_ =	shalt  }
0x44: {  	_ =	shalt  }
0x45: {  	_ =	shalt  }
0x46: {  	_ =	shalt  }
0x47: {  	_ =	shalt  }
0x48: {  	_ =	shalt  }
0x49: {  	_ =	shalt  }
0x4a: {  	_ =	shalt  }
0x4b: {  	_ =	shalt  }
0x4c: {  	_ =	shalt  }
0x4d: {  	_ =	shalt  }
0x4e: {  	_ =	shalt  }
0x4f: {  	_ =	shalt  }
0x50: {  	_ =	shalt  }
0x51: {  	_ =	shalt  }
0x52: {  	_ =	shalt  }
0x53: {  	_ =	shalt  }
0x54: {  	_ =	shalt  }
0x55: {  	_ =	shalt  }
0x56: {  	_ =	shalt  }
0x57: {  	_ =	shalt  }
0x58: {  	_ =	shalt  }
0x59: {  	_ =	shalt  }
0x5a: {  	_ =	shalt  }
0x5b: {  	_ =	shalt  }
0x5c: {  	_ =	shalt  }
0x5d: {  	_ =	shalt  }
0x5e: {  	_ =	shalt  }
0x5f: {  	_ =	shalt  }
0x60: {  	_ =	shalt  }
0x61: {  	_ =	shalt  }
0x62: {  	_ =	shalt  }
0x63: {  	_ =	shalt  }
0x64: {  	_ =	shalt  }
0x65: {  	_ =	shalt  }
0x66: {  	_ =	shalt  }
0x67: {  	_ =	shalt  }
0x68: {  	_ =	shalt  }
0x69: {  	_ =	shalt  }
0x6a: {  	_ =	shalt  }
0x6b: {  	_ =	shalt  }
0x6c: {  	_ =	shalt  }
0x6d: {  	_ =	shalt  }
0x6e: {  	_ =	shalt  }
0x6f: {  	_ =	shalt  }
0x70: {  	_ =	shalt  }
0x71: {  	_ =	shalt  }
0x72: {  	_ =	shalt  }
0x73: {  	_ =	shalt  }
0x74: {  	_ =	shalt  }
0x75: {  	_ =	shalt  }
0x76: {  	_ =	shalt  }
0x77: {  	_ =	shalt  }
0x78: {  	_ =	shalt  }
0x79: {  	_ =	shalt  }
0x7a: {  	_ =	shalt  }
0x7b: {  	_ =	shalt  }
0x7c: {  	_ =	shalt  }
0x7d: {  	_ =	shalt  }
0x7e: {  	_ =	shalt  }
0x7f: {  	_ =	shalt  }
0x80: {  	_ =	shalt  }
0x81: {  	_ =	shalt  }
0x82: {  	_ =	shalt  }
0x83: {  	_ =	shalt  }
0x84: {  	_ =	shalt  }
0x85: {  	_ =	shalt  }
0x86: {  	_ =	shalt  }
0x87: {  	_ =	shalt  }
.Lfunc_end0:
.L_simem_size_0:
called_computation_lowered:
.L_overlay_start_0:
0x88: {  	s2 =	sld [smem:$0x3FD9]  }
0x89: {  	s3 =	sld [smem:$0x3FFE];
	_ =	sdelay $0x1  }
0x8a: {  	s1 =	srdreg.scid  }
0x8b: {  	s0 =	sand.u32 $0x1, s1  }
0x8c: {  	s16 =	sshll.u32 s0, $0xA;
	s2 =	sadd.s32 s3, s2  }
0x8d: {  	s2 =	sadd.s32 s2, s16  }
0x8e: {  	[smem:$0x3FBE] =	sst s2  }
0x8f: {  	_ = 	snop  }
0x90: {  	(tm) =	ssettm $0x1  }
0x91: {  	s17 =	sld [smem:$0x3FFB];
	_ =	sdelay $0x3  }
0x92: {  	_ =	strace s17  }
0x93: {  	s2 =	sld [smem:$0x3FFC];
	_ =	sdelay $0x3  }
0x94: {  	_ =	strace s2  }
0x95: {  	s2 =	sld [smem:$0x3FFD];
	_ =	sdelay $0x3  }
0x96: {  	_ =	strace s2  }
0x97: {  	_ =	strace $0x8FFFFFFF  }
0x98: {  	s18 =	sld [smem:$0x3FDB];
	_ =	sdelay $0x1  }
0x99: {  	s19 =	simm.s32 $_scs_section_size  }
0x9a: {  	s4 =	simm.s32 $_size__tile_overlayer_lowered;
	s5 =	simm.s32 $_tile_overlayer_lowered  }
0x9b: {  	s22 =	simm.s32 $0x1BFF;
	s21 =	sshll.u32 s5, $0x1;
	s2 =	sadd.s32 s19, s18  }
0x9c: {  	s6 =	simm.s32 $0x0;
	s20 =	sshll.u32 s4, $0x1;
	s4 =	sadd.s32 s21, s2  }
0x9d: {  	[timem:s6], [sflag:s22] =	dma.local [hbm:s4], s20  }
0x9e: {  	_ =	swait.ge [sflag:s22], s20  }
0x9f: {  	s3 =	ssub.s32 $0x0, s20;
	[sflag:s22] =	ssyncset.done $0x0  }
0xa0: {  	[sflag:s22] =	ssyncadd.s32 s3;
	_ =	sdelay $0x1  }
0xa1: {  	s23 =	simm.s32 $0x1B8B  }
0xa2: {  	_ =	swait.ge [sflag:s23], $0x1  }
0xa3: {  	[sflag:s23] =	ssyncset.done $0x0  }
0xa4: {  	s25 =	simm.s32 $0x1B8E;
	s24 =	sld [smem:$0x3FFE];
	[sflag:s23] =	ssyncadd.s32 $0xFFFFFFFF  }
0xa5: {  	s26 =	simm.s32 $execute0_lowered;
	[smem:$0x3FD2] =	sst s25  }
0xa6: {  	s4 =	sshll.u32 s26, $0x1;
	_ =	strace $0x80000046;
	[dreg:$0x1] =	wrdreg $0xFFFFFFFF  }
0xa7: {  	s28 =	simm.s32 $_size_execute0_lowered;
	s2 =	sadd.s32 s2, s4;
	[dreg:$0x0] =	wrdreg $0x0  }
0xa8: {  	s4 =	sshll.u32 s28, $0x1;
	[dreg:$0x2] =	wrdreg s2  }
0xa9: {  	[dreg:$0x3] =	wrdreg s4  }
0xaa: {  	[dreg:$0x4] =	wrdreg $0xC0  }
0xab: {  	_ =	task [dreg:s6], $0x5FFFF  }
0xac: {  	[dreg:$0x1] =	wrdreg $0xFFFFFFFF  }
0xad: {  	[dreg:$0x0] =	wrdreg $0x60  }
0xae: {  	[dreg:$0x2] =	wrdreg s24  }
0xaf: {  	[dreg:$0x3] =	wrdreg $0x28000  }
0xb0: {  	[dreg:$0x4] =	wrdreg $0x9  }
0xb1: {  	_ =	task.clear_ibuf [dreg:s6], $0x5FFFF;
	_ =	strace $0x90000046  }
0xb2: {  	s29 =	simm.s32 $0x9;
	_ =	strace $0x80000048  }
0xb3: {  	_ =	swait.ge [sflag:s29], $0x1  }
0xb4: {  	[sflag:s29] =	ssyncadd.s32 $0xFFFFFFFF  }
0xb5: {  	_ =	strace $0x90000048  }
0xb6: {  	_ =	sfence  }
0xb7: {  	s30 =	sld [smem:$0x0];
	_ =	sdelay $0x2  }
0xb8: {  	s31 =	sshll.u32 s1, $0xD;
	s1 =	sshrl.u32 s1, $0x2  }
0xb9: {  	s3 =	sand.u32 $0x4000, s31;
	s1 =	sadd.s32 s1, s30  }
0xba: {  	s0 =	sor.u32 s3, s0;
	s1 =	sshll.u32 s1, $0x11  }
0xbb: {  	s0 =	sor.u32 s1, s0  }
0xbc: {  	s0 =	sadd.s32 $0x8F2B, s0  }
0xbd: {  	[sflag:s0] =	ssyncadd.remote.s32 $0x1  }
0xbe: {  	_ =	sfence.sel $0xFFFF  }
0xbf: {  	[dreg:$0x0] =	wrdreg $0xFFFFFFFF;
	(pc) =	sbr.abs _section_cstart, $3  }
0xc0: {  	[dreg:$0x1] =	wrdreg $0xFFFFFFFF  }
0xc1: {  	_ =	task.clear_ibuf [dreg:s6], $0x2FFFF;
	_ =	strace $0x9FFFFFFF  }
0xc2: {  	(tm) =	ssettm $0x7FFFFFFF  }
0xc3: {  	_ =	shalt  }
tec
execute0_lowered:
.L_overlay_start_1:
0x0: {  	(tag) =	ssettag $0x1  }
0x1: {  	s0 =	srdreg.scid  }
0x2: {  	s10 =	sand.u32 $0x1, s0  }
0x3: {  	s0 =	stileid.u32;
	s1 =	sshll.u32 s10, $0x4  }
0x4: {  	s11 =	rddreg [dreg:$0x0];
	s1 =	sor.u32 s0, s1  }
0x5: {  	s8 =	rddreg [dreg:$0x1];
	s2 =	simm.s32 $0x0;
	s3 =	smul.u32 $0x280, s1  }
0x6: {  	[smem:$0x7FF] =	sst s2  }
0x7: {  	s1 =	rddreg [dreg:$0x2];
	s5 =	sadd.s32 s3, s11  }
0x8: {  	_ =	strace $0x80000047;
	s3 =	simm.s32 $0x1;
	s4 =	sadd.s32 $0x6400, s5  }
0x9: {  	[tilespmem:s2], [sflag:$0x1] =	stream.linear.gather [hbm4b:s4+s2], $0x1400, $0x38;
	[tilespmem:$0xF000] =	vst v63  }
0xa: {  	s6 =	simm.s32 $0x1400;
	s12 =	smul.u32 $0xC800, s0;
	_ =	swait.ge [sflag:s3], $0x1400  }
0xb: {  	s7 =	sadd.s32 $0x24400, s11;
	s13 =	smul.u32 $0xC8000, s10;
	[sflag:s3] =	ssyncset.done $0x0  }
0xc: {  	s10 =	ssub.s32 $0x2, s10;
	s5 =	sadd.s32 $0x1400, s5;
	[sflag:s3] =	ssyncadd.s32 $0xFFFFEC00  }
0xd: {  	[tilespmem:s6], [sflag:$0x1] =	stream.linear.gather [hbm4b:s5+s2], $0x1400, $0x38;
	[tilespmem:$0xF000] =	vst v63  }
0xe: {  	s28 =	sshll.u32 s0, $0x6;
	s29 =	sshrl.u32 s10, $0x1;
	_ =	swait.ge [sflag:s3], $0x1400  }
0xf: {  	s9 =	sadd.s32 s12, s8;
	s8 =	sor.u32 $0x1C01, s28;
	[sflag:s3] =	ssyncset.done $0x0  }
0x10: {  	s30 =	ssub.s32 s10, s29;
	s9 =	sshrl.u32 s9, $0x3;
	[sflag:s3] =	ssyncadd.s32 $0xFFFFEC00  }
0x11: {  	[spmem:s9], [sflag:s8] =	dma.local [hbm:s7], $0x1900  }
0x12: {  	s12 =	sadd.s32 s12, s13;
	s31 =	smax.u32 s30, $0x1;
	_ =	swait.ge [sflag:s3], $0x1900  }
0x13: {  	s12 =	sshrl.u32 s12, $0x3;
	p0 =	sne.s32 s31, $0x1;
	[sflag:s3] =	ssyncset.done $0x0  }
.Ltmp0:
0x14: {  	s11 =	sadd.s32 s12, s11;
	[sflag:s3] =	ssyncadd.s32 $0xFFFFE700;
	(pc) =	sbr.rel @!p0 .LBB2_2-.Ltmp0, $4  }
0x15: {  	s10 =	sadd.s32 $0x25E00, s11;
	[bflag:$0x0] =	sbarrier.arrive $0xFFFF  }
0x16: {  	[hbm:s10], [sflag:s8] =	dma.local [spmem:s9], $0x1900  }
0x17: {  	_ =	swait.ge [sflag:s3], $0x1900  }
0x18: {  	s11 =	sadd.s32 $0xFFFFFFFF, s31;
	[sflag:s3] =	ssyncset.done $0x0  }
.LBB2_1:
0x19: {  	p0 =	sne.s32 s11, $0x1;
	s11 =	sadd.s32 $0xFFFFFFFF, s11;
	[sflag:s3] =	ssyncadd.s32 $0xFFFFE700  }
0x1a: {  	[tilespmem:s2], [sflag:$0x1] =	stream.linear.gather [hbm4b:s4+s2], $0x1400, $0x38;
	[tilespmem:$0xF000] =	vst v63  }
0x1b: {  	_ =	swait.ge [sflag:s3], $0x1400  }
0x1c: {  	[sflag:s3] =	ssyncset.done $0x0  }
0x1d: {  	[sflag:s3] =	ssyncadd.s32 $0xFFFFEC00  }
0x1e: {  	[tilespmem:s6], [sflag:$0x1] =	stream.linear.gather [hbm4b:s5+s2], $0x1400, $0x38;
	[tilespmem:$0xF000] =	vst v63  }
0x1f: {  	_ =	swait.ge [sflag:s3], $0x1400  }
0x20: {  	[sflag:s3] =	ssyncset.done $0x0  }
0x21: {  	[sflag:s3] =	ssyncadd.s32 $0xFFFFEC00  }
0x22: {  	[spmem:s9], [sflag:s8] =	dma.local [hbm:s7], $0x1900  }
0x23: {  	_ =	swait.ge [sflag:s3], $0x1900  }
0x24: {  	[sflag:s3] =	ssyncset.done $0x0  }
.Ltmp1:
0x25: {  	[sflag:s3] =	ssyncadd.s32 $0xFFFFE700;
	(pc) =	sbr.rel @p0 .LBB2_1-.Ltmp1, $4  }
0x26: {  	[bflag:$0x0] =	sbarrier.arrive $0xFFFF  }
0x27: {  	[hbm:s10], [sflag:s8] =	dma.local [spmem:s9], $0x1900  }
0x28: {  	_ =	swait.ge [sflag:s3], $0x1900  }
0x29: {  	[sflag:s3] =	ssyncset.done $0x0  }
.LBB2_2:
0x2a: {  	[sflag:s3] =	ssyncadd.s32 $0xFFFFE700  }
0x2b: {  	_ =	sfence.sel $0x180000  }
0x2c: {  	[bflag:$0x0] =	sbarrier.arrive $0xFFFF  }
0x2d: {  	p0 =	sne.s32 s0, $0x0;
	_ =	strace $0x90000047  }
0x2e: {  	s0 =	sadd.s32 @!p0 $0x100000, s1;
	[bflag:$0x2] =	sbarrier.arrive $0xFFFF  }
0x2f: {  	[sflag:s0] =	ssyncadd.tile.s32 @!p0 $0x1;
	_ =	shalt  }
.Lfunc_end2:
_tile_overlayer_lowered:
.L_overlay_start_2:
0x30: {  	(tag) =	ssettag $0x2  }
0x31: {  	s0 =	rddreg [dreg:$0x0];
	s2 =	stileid.u32  }
0x32: {  	s1 =	rddreg [dreg:$0x1];
	p0 =	sne.s32 s2, $0x0  }
0x33: {  	s3 =	rddreg [dreg:$0x2];
	[bflag:$0x3] =	sbarrier.arrive $0xFFFF;
	s2 =	simm.s32 @!p0 $0x1C01  }
0x34: {  	[timem:s3], [sflag:s2] =	dma.local @!p0 [hbm:s0], s1  }
0x35: {  	s0 =	simm.s32 @!p0 $0x1  }
0x36: {  	_ =	swait.ge @!p0 [sflag:s0], s1  }
0x37: {  	s1 =	ssub.s32 @!p0 $0x0, s1;
	[sflag:s0] =	ssyncset.done @!p0 $0x0  }
0x38: {  	[sflag:s0] =	ssyncadd.s32 @!p0 s1  }
0x39: {  	[bflag:$0x3] =	sbarrier.arrive $0xFFFF  }
0x3a: {  	_ =	shalt  }

</sc_bundles>
